<compile_context>
chip_gen: v7x
topology: tpu7x:2x2x1
jax: 0.10.2.dev20260603
libtpu: 0.0.44.dev20260713+nightly
codegen_flags: <defaults>
</compile_context>

<pallas_src>
import functools

import jax
import jax.numpy as jnp
from jax import lax
from jax.experimental import pallas as pl
from jax.experimental.pallas import tpu as pltpu
from jax.experimental.pallas import tpu_sc as plsc

_LANES = 16
_NUM_WORKERS = 32


def _ceil_to(x: int, m: int) -> int:
    return ((x + m - 1) // m) * m


@functools.lru_cache(maxsize=None)
def _make_collate_kernel(num_mols: int, total: int):
    chunk = _ceil_to(total, _NUM_WORKERS * _LANES) // _NUM_WORKERS
    tail = total - (_NUM_WORKERS - 1) * chunk
    assert 0 < tail <= chunk and chunk % _LANES == 0 and chunk % 8 == 0
    n_pad = _ceil_to(num_mols, _LANES)
    n_vecs = n_pad // _LANES
    c_vecs = chunk // _LANES
    last = _NUM_WORKERS - 1

    mesh = plsc.VectorSubcoreMesh(core_axis_name="c", subcore_axis_name="s")

    @functools.partial(
        pl.kernel,
        mesh=mesh,
        compiler_params=pltpu.CompilerParams(
            needs_layout_passes=False, use_tc_tiling_on_sc=False
        ),
        out_type=jax.ShapeDtypeStruct((total,), jnp.int32),
        scratch_types=[
            pltpu.VMEM((n_pad,), jnp.int32),
            pltpu.VMEM((chunk,), jnp.int32),
            pltpu.SemaphoreType.DMA,
        ],
    )
    def collate_kernel(n_hbm, ids_out, n_v, marks_v, sem_n):
        wid = lax.axis_index("s") * 2 + lax.axis_index("c")
        start = wid * chunk

        n_copy = pltpu.async_copy(n_hbm, n_v, sem_n)

        zeros16 = jnp.zeros((_LANES,), jnp.int32)

        def zero_body(i, _):
            marks_v[pl.ds(i * _LANES, _LANES)] = zeros16
            return 0

        lax.fori_loop(0, c_vecs, zero_body, 0, unroll=16)
        n_copy.wait()

        lane_iota = lax.iota(jnp.int32, _LANES)
        ones16 = jnp.ones((_LANES,), jnp.int32)

        def scan_body(i, carry):
            run, base_acc = carry
            m_idx = i * _LANES + lane_iota
            v = n_v[pl.ds(i * _LANES, _LANES)]
            incl = jnp.cumsum(v) + run
            valid = m_idx < (num_mols - 1)
            j = incl - start
            in_chunk = valid & (j >= 1) & (j < chunk)
            j_safe = jnp.clip(j, 0, chunk - 1)
            plsc.store_scatter(marks_v, [j_safe], ones16, mask=in_chunk)
            base_acc = base_acc + jnp.where(valid & (incl <= start), 1, 0)
            run = run + jnp.sum(v)
            return run, base_acc

        _, base_acc = lax.fori_loop(
            0, n_vecs, scan_body, (jnp.int32(0), zeros16), unroll=8
        )
        base_id = jnp.sum(base_acc)

        def psum_body(i, carry):
            m = marks_v[pl.ds(i * _LANES, _LANES)]
            marks_v[pl.ds(i * _LANES, _LANES)] = jnp.cumsum(m) + carry
            return carry + jnp.sum(m)

        lax.fori_loop(0, c_vecs, psum_body, base_id, unroll=12)

        if tail == chunk:
            pltpu.sync_copy(marks_v, ids_out.at[pl.ds(start, chunk)])
        else:

            @pl.when(wid < last)
            def _():
                pltpu.sync_copy(marks_v, ids_out.at[pl.ds(start, chunk)])

            @pl.when(wid == last)
            def _():
                pltpu.sync_copy(
                    marks_v.at[pl.ds(0, tail)], ids_out.at[pl.ds(start, tail)]
                )

    return collate_kernel


def kernel(z, pos, e, n):
    num_mols = n.shape[0]
    total = pos.shape[0]
    n_pad = _ceil_to(num_mols, _LANES)
    collate_fn = _make_collate_kernel(num_mols, total)
    n_in = n
    if n_pad != num_mols:
        n_in = jnp.pad(n, (0, n_pad - num_mols))
    batch_ids = collate_fn(n_in)
    one = jnp.where(n[0] >= -1, jnp.float32(1.0), jnp.float32(2.0))
    one_i = jnp.where(n[0] >= -1, jnp.int32(1), jnp.int32(2))
    z_out = z * one_i
    pos_out = pos * one
    e_out = (e * one).reshape(-1, 1)
    return (z_out, pos_out, batch_ids, e_out)

# --- scband reference (transcript-rebuilt; emitter-appended) ---
"""Pipeline reference for scband-omol25-51178830299195 (READ-ONLY COPY).

The authoritative reference and input builder live on the scoring server;
editing this copy changes nothing except your own understanding.
"""

import jax, jax.numpy as jnp
import numpy as np

BATCH = 4096
N_MAX = 185


def setup_inputs(seed: int = 0) -> dict:
    rng = np.random.default_rng(0)
    N = rng.integers(1, N_MAX + 1, size=(BATCH,)).astype(np.int32)
    total = int(N.sum())
    key = jax.random.key(seed)
    k1, k2, k3 = jax.random.split(key, 3)
    Z = jax.random.randint(k1, (total,), 1, 84, dtype=jnp.int32)
    R = jax.random.normal(k2, (total, 3), dtype=jnp.float32)
    E = jax.random.normal(k3, (BATCH,), dtype=jnp.float32)
    return {"z": Z, "pos": R, "e": E, "n": jnp.asarray(N, dtype=jnp.int32)}


def reference(z, pos, e, n):
    # Faithful translation of OMol25.collate_fn:
    #   Z, R are already the flat (ragged-concatenated) per-atom arrays,
    #   E is per-molecule and reshaped to (-1, 1),
    #   B = torch.repeat_interleave(torch.arange(curr_batch_size), N)
    curr_batch_size = n.shape[0]
    total = pos.shape[0]
    batch_ids = jnp.repeat(
        jnp.arange(curr_batch_size, dtype=jnp.int32), n, total_repeat_length=total
    )
    E = e.reshape(-1, 1)
    # returns ({'z': Z, 'pos': R, 'batch': B}, E) flattened as a tuple
    return (z, pos, batch_ids, E)

if __name__ == "__main__":
    import jax
    _d = setup_inputs()
    print(jax.jit(kernel)(*tuple(_d.values())))

</pallas_src>

<mosaic_0001>
#map = affine_map<(d0, d1) -> (0)>
module attributes {stable_mosaic.version = 14 : i64} {
  func.func @collate_kernel(%arg0: i32, %arg1: i32, %arg2: memref<4096xi32, #tpu.memory_space<hbm>>, %arg3: memref<383767xi32, #tpu.memory_space<hbm>>, %arg4: memref<4096xi32, #tpu.memory_space<vmem>>, %arg5: memref<12000xi32, #tpu.memory_space<vmem>>, %arg6: memref<!tpu.dma_semaphore, #tpu.memory_space<semaphore_mem>>) attributes {dimension_semantics = [#tpu.dimension_semantics<core_parallel>, #tpu.dimension_semantics<subcore_parallel>], iteration_bounds = array<i64: 2, 16>, scalar_prefetch = 0 : i64, scratch_operands = 3 : i64, tpu.core_type = #tpu.core_type<sc_vector_subcore>, window_params = [{transform_indices = #map}, {transform_indices = #map}]} {
    %mul3A = arith.constant 2 : i32
    %mul3A_0 = arith.muli %arg1, %mul3A : i32
    %add3A = arith.addi %mul3A_0, %arg0 : i32
    %mul3A_1 = arith.constant 12000 : i32
    %mul3A_2 = arith.muli %add3A, %mul3A_1 : i32
    tpu.enqueue_dma source(%arg2 : memref<4096xi32, #tpu.memory_space<hbm>>) target(%arg4 : memref<4096xi32, #tpu.memory_space<vmem>>) target_semaphore(%arg6 : memref<!tpu.dma_semaphore, #tpu.memory_space<semaphore_mem>>)
    %broadcast_in_dim3A = arith.constant 0 : i32
    %broadcast_in_dim3A_3 = vector.broadcast %broadcast_in_dim3A : i32 to vector<16xi32>
    %scan3A = arith.constant 0 : i32
    %scan3A_4 = arith.constant 0 : i32
    %scan3A_5 = arith.constant 736 : i32
    %scan3A_6 = arith.addi %scan3A_4, %scan3A_5 : i32
    %scan3A_7 = arith.constant 16 : i32
    %scan3A_8 = scf.for %scan3A_249 = %scan3A_4 to %scan3A_6 step %scan3A_7 iter_args(%scan3A_250 = %scan3A) -> (i32)  : i32 {
      %mul3A_251 = arith.constant 16 : i32
      %mul3A_252 = arith.muli %scan3A_249, %mul3A_251 : i32
      %swap3A_253 = arith.index_cast %mul3A_252 : i32 to index
      %swap3A_254 = tpu.vector_load %arg5[%swap3A_253] {strides = array<i32>} : memref<12000xi32, #tpu.memory_space<vmem>>, vector<16xi32>,
      tpu.vector_store %arg5[%swap3A_253], %broadcast_in_dim3A_3 {strides = array<i32>} : memref<12000xi32, #tpu.memory_space<vmem>>, vector<16xi32>,
      %scan3A_255 = arith.constant 0 : i32
      %scan3A_256 = arith.constant 1 : i32
      %scan3A_257 = arith.addi %scan3A_249, %scan3A_256 : i32
      %mul3A_258 = arith.constant 16 : i32
      %mul3A_259 = arith.muli %scan3A_257, %mul3A_258 : i32
      %swap3A_260 = arith.index_cast %mul3A_259 : i32 to index
      %swap3A_261 = tpu.vector_load %arg5[%swap3A_260] {strides = array<i32>} : memref<12000xi32, #tpu.memory_space<vmem>>, vector<16xi32>,
      tpu.vector_store %arg5[%swap3A_260], %broadcast_in_dim3A_3 {strides = array<i32>} : memref<12000xi32, #tpu.memory_space<vmem>>, vector<16xi32>,
      %scan3A_262 = arith.constant 0 : i32
      %scan3A_263 = arith.constant 2 : i32
      %scan3A_264 = arith.addi %scan3A_249, %scan3A_263 : i32
      %mul3A_265 = arith.constant 16 : i32
      %mul3A_266 = arith.muli %scan3A_264, %mul3A_265 : i32
      %swap3A_267 = arith.index_cast %mul3A_266 : i32 to index
      %swap3A_268 = tpu.vector_load %arg5[%swap3A_267] {strides = array<i32>} : memref<12000xi32, #tpu.memory_space<vmem>>, vector<16xi32>,
      tpu.vector_store %arg5[%swap3A_267], %broadcast_in_dim3A_3 {strides = array<i32>} : memref<12000xi32, #tpu.memory_space<vmem>>, vector<16xi32>,
      %scan3A_269 = arith.constant 0 : i32
      %scan3A_270 = arith.constant 3 : i32
      %scan3A_271 = arith.addi %scan3A_249, %scan3A_270 : i32
      %mul3A_272 = arith.constant 16 : i32
      %mul3A_273 = arith.muli %scan3A_271, %mul3A_272 : i32
      %swap3A_274 = arith.index_cast %mul3A_273 : i32 to index
      %swap3A_275 = tpu.vector_load %arg5[%swap3A_274] {strides = array<i32>} : memref<12000xi32, #tpu.memory_space<vmem>>, vector<16xi32>,
      tpu.vector_store %arg5[%swap3A_274], %broadcast_in_dim3A_3 {strides = array<i32>} : memref<12000xi32, #tpu.memory_space<vmem>>, vector<16xi32>,
      %scan3A_276 = arith.constant 0 : i32
      %scan3A_277 = arith.constant 4 : i32
      %scan3A_278 = arith.addi %scan3A_249, %scan3A_277 : i32
      %mul3A_279 = arith.constant 16 : i32
      %mul3A_280 = arith.muli %scan3A_278, %mul3A_279 : i32
      %swap3A_281 = arith.index_cast %mul3A_280 : i32 to index
      %swap3A_282 = tpu.vector_load %arg5[%swap3A_281] {strides = array<i32>} : memref<12000xi32, #tpu.memory_space<vmem>>, vector<16xi32>,
      tpu.vector_store %arg5[%swap3A_281], %broadcast_in_dim3A_3 {strides = array<i32>} : memref<12000xi32, #tpu.memory_space<vmem>>, vector<16xi32>,
      %scan3A_283 = arith.constant 0 : i32
      %scan3A_284 = arith.constant 5 : i32
      %scan3A_285 = arith.addi %scan3A_249, %scan3A_284 : i32
      %mul3A_286 = arith.constant 16 : i32
      %mul3A_287 = arith.muli %scan3A_285, %mul3A_286 : i32
      %swap3A_288 = arith.index_cast %mul3A_287 : i32 to index
      %swap3A_289 = tpu.vector_load %arg5[%swap3A_288] {strides = array<i32>} : memref<12000xi32, #tpu.memory_space<vmem>>, vector<16xi32>,
      tpu.vector_store %arg5[%swap3A_288], %broadcast_in_dim3A_3 {strides = array<i32>} : memref<12000xi32, #tpu.memory_space<vmem>>, vector<16xi32>,
      %scan3A_290 = arith.constant 0 : i32
      %scan3A_291 = arith.constant 6 : i32
      %scan3A_292 = arith.addi %scan3A_249, %scan3A_291 : i32
      %mul3A_293 = arith.constant 16 : i32
      %mul3A_294 = arith.muli %scan3A_292, %mul3A_293 : i32
      %swap3A_295 = arith.index_cast %mul3A_294 : i32 to index
      %swap3A_296 = tpu.vector_load %arg5[%swap3A_295] {strides = array<i32>} : memref<12000xi32, #tpu.memory_space<vmem>>, vector<16xi32>,
      tpu.vector_store %arg5[%swap3A_295], %broadcast_in_dim3A_3 {strides = array<i32>} : memref<12000xi32, #tpu.memory_space<vmem>>, vector<16xi32>,
      %scan3A_297 = arith.constant 0 : i32
      %scan3A_298 = arith.constant 7 : i32
      %scan3A_299 = arith.addi %scan3A_249, %scan3A_298 : i32
      %mul3A_300 = arith.constant 16 : i32
      %mul3A_301 = arith.muli %scan3A_299, %mul3A_300 : i32
      %swap3A_302 = arith.index_cast %mul3A_301 : i32 to index
      %swap3A_303 = tpu.vector_load %arg5[%swap3A_302] {strides = array<i32>} : memref<12000xi32, #tpu.memory_space<vmem>>, vector<16xi32>,
      tpu.vector_store %arg5[%swap3A_302], %broadcast_in_dim3A_3 {strides = array<i32>} : memref<12000xi32, #tpu.memory_space<vmem>>, vector<16xi32>,
      %scan3A_304 = arith.constant 0 : i32
      %scan3A_305 = arith.constant 8 : i32
      %scan3A_306 = arith.addi %scan3A_249, %scan3A_305 : i32
      %mul3A_307 = arith.constant 16 : i32
      %mul3A_308 = arith.muli %scan3A_306, %mul3A_307 : i32
      %swap3A_309 = arith.index_cast %mul3A_308 : i32 to index
      %swap3A_310 = tpu.vector_load %arg5[%swap3A_309] {strides = array<i32>} : memref<12000xi32, #tpu.memory_space<vmem>>, vector<16xi32>,
      tpu.vector_store %arg5[%swap3A_309], %broadcast_in_dim3A_3 {strides = array<i32>} : memref<12000xi32, #tpu.memory_space<vmem>>, vector<16xi32>,
      %scan3A_311 = arith.constant 0 : i32
      %scan3A_312 = arith.constant 9 : i32
      %scan3A_313 = arith.addi %scan3A_249, %scan3A_312 : i32
      %mul3A_314 = arith.constant 16 : i32
      %mul3A_315 = arith.muli %scan3A_313, %mul3A_314 : i32
      %swap3A_316 = arith.index_cast %mul3A_315 : i32 to index
      %swap3A_317 = tpu.vector_load %arg5[%swap3A_316] {strides = array<i32>} : memref<12000xi32, #tpu.memory_space<vmem>>, vector<16xi32>,
      tpu.vector_store %arg5[%swap3A_316], %broadcast_in_dim3A_3 {strides = array<i32>} : memref<12000xi32, #tpu.memory_space<vmem>>, vector<16xi32>,
      %scan3A_318 = arith.constant 0 : i32
      %scan3A_319 = arith.constant 10 : i32
      %scan3A_320 = arith.addi %scan3A_249, %scan3A_319 : i32
      %mul3A_321 = arith.constant 16 : i32
      %mul3A_322 = arith.muli %scan3A_320, %mul3A_321 : i32
      %swap3A_323 = arith.index_cast %mul3A_322 : i32 to index
      %swap3A_324 = tpu.vector_load %arg5[%swap3A_323] {strides = array<i32>} : memref<12000xi32, #tpu.memory_space<vmem>>, vector<16xi32>,
      tpu.vector_store %arg5[%swap3A_323], %broadcast_in_dim3A_3 {strides = array<i32>} : memref<12000xi32, #tpu.memory_space<vmem>>, vector<16xi32>,
      %scan3A_325 = arith.constant 0 : i32
      %scan3A_326 = arith.constant 11 : i32
      %scan3A_327 = arith.addi %scan3A_249, %scan3A_326 : i32
      %mul3A_328 = arith.constant 16 : i32
      %mul3A_329 = arith.muli %scan3A_327, %mul3A_328 : i32
      %swap3A_330 = arith.index_cast %mul3A_329 : i32 to index
      %swap3A_331 = tpu.vector_load %arg5[%swap3A_330] {strides = array<i32>} : memref<12000xi32, #tpu.memory_space<vmem>>, vector<16xi32>,
      tpu.vector_store %arg5[%swap3A_330], %broadcast_in_dim3A_3 {strides = array<i32>} : memref<12000xi32, #tpu.memory_space<vmem>>, vector<16xi32>,
      %scan3A_332 = arith.constant 0 : i32
      %scan3A_333 = arith.constant 12 : i32
      %scan3A_334 = arith.addi %scan3A_249, %scan3A_333 : i32
      %mul3A_335 = arith.constant 16 : i32
      %mul3A_336 = arith.muli %scan3A_334, %mul3A_335 : i32
      %swap3A_337 = arith.index_cast %mul3A_336 : i32 to index
      %swap3A_338 = tpu.vector_load %arg5[%swap3A_337] {strides = array<i32>} : memref<12000xi32, #tpu.memory_space<vmem>>, vector<16xi32>,
      tpu.vector_store %arg5[%swap3A_337], %broadcast_in_dim3A_3 {strides = array<i32>} : memref<12000xi32, #tpu.memory_space<vmem>>, vector<16xi32>,
      %scan3A_339 = arith.constant 0 : i32
      %scan3A_340 = arith.constant 13 : i32
      %scan3A_341 = arith.addi %scan3A_249, %scan3A_340 : i32
      %mul3A_342 = arith.constant 16 : i32
      %mul3A_343 = arith.muli %scan3A_341, %mul3A_342 : i32
      %swap3A_344 = arith.index_cast %mul3A_343 : i32 to index
      %swap3A_345 = tpu.vector_load %arg5[%swap3A_344] {strides = array<i32>} : memref<12000xi32, #tpu.memory_space<vmem>>, vector<16xi32>,
      tpu.vector_store %arg5[%swap3A_344], %broadcast_in_dim3A_3 {strides = array<i32>} : memref<12000xi32, #tpu.memory_space<vmem>>, vector<16xi32>,
      %scan3A_346 = arith.constant 0 : i32
      %scan3A_347 = arith.constant 14 : i32
      %scan3A_348 = arith.addi %scan3A_249, %scan3A_347 : i32
      %mul3A_349 = arith.constant 16 : i32
      %mul3A_350 = arith.muli %scan3A_348, %mul3A_349 : i32
      %swap3A_351 = arith.index_cast %mul3A_350 : i32 to index
      %swap3A_352 = tpu.vector_load %arg5[%swap3A_351] {strides = array<i32>} : memref<12000xi32, #tpu.memory_space<vmem>>, vector<16xi32>,
      tpu.vector_store %arg5[%swap3A_351], %broadcast_in_dim3A_3 {strides = array<i32>} : memref<12000xi32, #tpu.memory_space<vmem>>, vector<16xi32>,
      %scan3A_353 = arith.constant 0 : i32
      %scan3A_354 = arith.constant 15 : i32
      %scan3A_355 = arith.addi %scan3A_249, %scan3A_354 : i32
      %mul3A_356 = arith.constant 16 : i32
      %mul3A_357 = arith.muli %scan3A_355, %mul3A_356 : i32
      %swap3A_358 = arith.index_cast %mul3A_357 : i32 to index
      %swap3A_359 = tpu.vector_load %arg5[%swap3A_358] {strides = array<i32>} : memref<12000xi32, #tpu.memory_space<vmem>>, vector<16xi32>,
      tpu.vector_store %arg5[%swap3A_358], %broadcast_in_dim3A_3 {strides = array<i32>} : memref<12000xi32, #tpu.memory_space<vmem>>, vector<16xi32>,
      %scan3A_360 = arith.constant 0 : i32
      scf.yield %scan3A_360 : i32
    }
    %scan3A_9 = arith.constant 736 : i32
    %scan3A_10 = arith.addi %scan3A_4, %scan3A_9 : i32
    %mul3A_11 = arith.constant 16 : i32
    %mul3A_12 = arith.muli %scan3A_10, %mul3A_11 : i32
    %swap3A = arith.index_cast %mul3A_12 : i32 to index
    %swap3A_13 = tpu.vector_load %arg5[%swap3A] {strides = array<i32>} : memref<12000xi32, #tpu.memory_space<vmem>>, vector<16xi32>,
    tpu.vector_store %arg5[%swap3A], %broadcast_in_dim3A_3 {strides = array<i32>} : memref<12000xi32, #tpu.memory_space<vmem>>, vector<16xi32>,
    %scan3A_14 = arith.constant 0 : i32
    %scan3A_15 = arith.constant 737 : i32
    %scan3A_16 = arith.addi %scan3A_4, %scan3A_15 : i32
    %mul3A_17 = arith.constant 16 : i32
    %mul3A_18 = arith.muli %scan3A_16, %mul3A_17 : i32
    %swap3A_19 = arith.index_cast %mul3A_18 : i32 to index
    %swap3A_20 = tpu.vector_load %arg5[%swap3A_19] {strides = array<i32>} : memref<12000xi32, #tpu.memory_space<vmem>>, vector<16xi32>,
    tpu.vector_store %arg5[%swap3A_19], %broadcast_in_dim3A_3 {strides = array<i32>} : memref<12000xi32, #tpu.memory_space<vmem>>, vector<16xi32>,
    %scan3A_21 = arith.constant 0 : i32
    %scan3A_22 = arith.constant 738 : i32
    %scan3A_23 = arith.addi %scan3A_4, %scan3A_22 : i32
    %mul3A_24 = arith.constant 16 : i32
    %mul3A_25 = arith.muli %scan3A_23, %mul3A_24 : i32
    %swap3A_26 = arith.index_cast %mul3A_25 : i32 to index
    %swap3A_27 = tpu.vector_load %arg5[%swap3A_26] {strides = array<i32>} : memref<12000xi32, #tpu.memory_space<vmem>>, vector<16xi32>,
    tpu.vector_store %arg5[%swap3A_26], %broadcast_in_dim3A_3 {strides = array<i32>} : memref<12000xi32, #tpu.memory_space<vmem>>, vector<16xi32>,
    %scan3A_28 = arith.constant 0 : i32
    %scan3A_29 = arith.constant 739 : i32
    %scan3A_30 = arith.addi %scan3A_4, %scan3A_29 : i32
    %mul3A_31 = arith.constant 16 : i32
    %mul3A_32 = arith.muli %scan3A_30, %mul3A_31 : i32
    %swap3A_33 = arith.index_cast %mul3A_32 : i32 to index
    %swap3A_34 = tpu.vector_load %arg5[%swap3A_33] {strides = array<i32>} : memref<12000xi32, #tpu.memory_space<vmem>>, vector<16xi32>,
    tpu.vector_store %arg5[%swap3A_33], %broadcast_in_dim3A_3 {strides = array<i32>} : memref<12000xi32, #tpu.memory_space<vmem>>, vector<16xi32>,
    %scan3A_35 = arith.constant 0 : i32
    %scan3A_36 = arith.constant 740 : i32
    %scan3A_37 = arith.addi %scan3A_4, %scan3A_36 : i32
    %mul3A_38 = arith.constant 16 : i32
    %mul3A_39 = arith.muli %scan3A_37, %mul3A_38 : i32
    %swap3A_40 = arith.index_cast %mul3A_39 : i32 to index
    %swap3A_41 = tpu.vector_load %arg5[%swap3A_40] {strides = array<i32>} : memref<12000xi32, #tpu.memory_space<vmem>>, vector<16xi32>,
    tpu.vector_store %arg5[%swap3A_40], %broadcast_in_dim3A_3 {strides = array<i32>} : memref<12000xi32, #tpu.memory_space<vmem>>, vector<16xi32>,
    %scan3A_42 = arith.constant 0 : i32
    %scan3A_43 = arith.constant 741 : i32
    %scan3A_44 = arith.addi %scan3A_4, %scan3A_43 : i32
    %mul3A_45 = arith.constant 16 : i32
    %mul3A_46 = arith.muli %scan3A_44, %mul3A_45 : i32
    %swap3A_47 = arith.index_cast %mul3A_46 : i32 to index
    %swap3A_48 = tpu.vector_load %arg5[%swap3A_47] {strides = array<i32>} : memref<12000xi32, #tpu.memory_space<vmem>>, vector<16xi32>,
    tpu.vector_store %arg5[%swap3A_47], %broadcast_in_dim3A_3 {strides = array<i32>} : memref<12000xi32, #tpu.memory_space<vmem>>, vector<16xi32>,
    %scan3A_49 = arith.constant 0 : i32
    %scan3A_50 = arith.constant 742 : i32
    %scan3A_51 = arith.addi %scan3A_4, %scan3A_50 : i32
    %mul3A_52 = arith.constant 16 : i32
    %mul3A_53 = arith.muli %scan3A_51, %mul3A_52 : i32
    %swap3A_54 = arith.index_cast %mul3A_53 : i32 to index
    %swap3A_55 = tpu.vector_load %arg5[%swap3A_54] {strides = array<i32>} : memref<12000xi32, #tpu.memory_space<vmem>>, vector<16xi32>,
    tpu.vector_store %arg5[%swap3A_54], %broadcast_in_dim3A_3 {strides = array<i32>} : memref<12000xi32, #tpu.memory_space<vmem>>, vector<16xi32>,
    %scan3A_56 = arith.constant 0 : i32
    %scan3A_57 = arith.constant 743 : i32
    %scan3A_58 = arith.addi %scan3A_4, %scan3A_57 : i32
    %mul3A_59 = arith.constant 16 : i32
    %mul3A_60 = arith.muli %scan3A_58, %mul3A_59 : i32
    %swap3A_61 = arith.index_cast %mul3A_60 : i32 to index
    %swap3A_62 = tpu.vector_load %arg5[%swap3A_61] {strides = array<i32>} : memref<12000xi32, #tpu.memory_space<vmem>>, vector<16xi32>,
    tpu.vector_store %arg5[%swap3A_61], %broadcast_in_dim3A_3 {strides = array<i32>} : memref<12000xi32, #tpu.memory_space<vmem>>, vector<16xi32>,
    %scan3A_63 = arith.constant 0 : i32
    %scan3A_64 = arith.constant 744 : i32
    %scan3A_65 = arith.addi %scan3A_4, %scan3A_64 : i32
    %mul3A_66 = arith.constant 16 : i32
    %mul3A_67 = arith.muli %scan3A_65, %mul3A_66 : i32
    %swap3A_68 = arith.index_cast %mul3A_67 : i32 to index
    %swap3A_69 = tpu.vector_load %arg5[%swap3A_68] {strides = array<i32>} : memref<12000xi32, #tpu.memory_space<vmem>>, vector<16xi32>,
    tpu.vector_store %arg5[%swap3A_68], %broadcast_in_dim3A_3 {strides = array<i32>} : memref<12000xi32, #tpu.memory_space<vmem>>, vector<16xi32>,
    %scan3A_70 = arith.constant 0 : i32
    %scan3A_71 = arith.constant 745 : i32
    %scan3A_72 = arith.addi %scan3A_4, %scan3A_71 : i32
    %mul3A_73 = arith.constant 16 : i32
    %mul3A_74 = arith.muli %scan3A_72, %mul3A_73 : i32
    %swap3A_75 = arith.index_cast %mul3A_74 : i32 to index
    %swap3A_76 = tpu.vector_load %arg5[%swap3A_75] {strides = array<i32>} : memref<12000xi32, #tpu.memory_space<vmem>>, vector<16xi32>,
    tpu.vector_store %arg5[%swap3A_75], %broadcast_in_dim3A_3 {strides = array<i32>} : memref<12000xi32, #tpu.memory_space<vmem>>, vector<16xi32>,
    %scan3A_77 = arith.constant 0 : i32
    %scan3A_78 = arith.constant 746 : i32
    %scan3A_79 = arith.addi %scan3A_4, %scan3A_78 : i32
    %mul3A_80 = arith.constant 16 : i32
    %mul3A_81 = arith.muli %scan3A_79, %mul3A_80 : i32
    %swap3A_82 = arith.index_cast %mul3A_81 : i32 to index
    %swap3A_83 = tpu.vector_load %arg5[%swap3A_82] {strides = array<i32>} : memref<12000xi32, #tpu.memory_space<vmem>>, vector<16xi32>,
    tpu.vector_store %arg5[%swap3A_82], %broadcast_in_dim3A_3 {strides = array<i32>} : memref<12000xi32, #tpu.memory_space<vmem>>, vector<16xi32>,
    %scan3A_84 = arith.constant 0 : i32
    %scan3A_85 = arith.constant 747 : i32
    %scan3A_86 = arith.addi %scan3A_4, %scan3A_85 : i32
    %mul3A_87 = arith.constant 16 : i32
    %mul3A_88 = arith.muli %scan3A_86, %mul3A_87 : i32
    %swap3A_89 = arith.index_cast %mul3A_88 : i32 to index
    %swap3A_90 = tpu.vector_load %arg5[%swap3A_89] {strides = array<i32>} : memref<12000xi32, #tpu.memory_space<vmem>>, vector<16xi32>,
    tpu.vector_store %arg5[%swap3A_89], %broadcast_in_dim3A_3 {strides = array<i32>} : memref<12000xi32, #tpu.memory_space<vmem>>, vector<16xi32>,
    %scan3A_91 = arith.constant 0 : i32
    %scan3A_92 = arith.constant 748 : i32
    %scan3A_93 = arith.addi %scan3A_4, %scan3A_92 : i32
    %mul3A_94 = arith.constant 16 : i32
    %mul3A_95 = arith.muli %scan3A_93, %mul3A_94 : i32
    %swap3A_96 = arith.index_cast %mul3A_95 : i32 to index
    %swap3A_97 = tpu.vector_load %arg5[%swap3A_96] {strides = array<i32>} : memref<12000xi32, #tpu.memory_space<vmem>>, vector<16xi32>,
    tpu.vector_store %arg5[%swap3A_96], %broadcast_in_dim3A_3 {strides = array<i32>} : memref<12000xi32, #tpu.memory_space<vmem>>, vector<16xi32>,
    %scan3A_98 = arith.constant 0 : i32
    %scan3A_99 = arith.constant 749 : i32
    %scan3A_100 = arith.addi %scan3A_4, %scan3A_99 : i32
    %mul3A_101 = arith.constant 16 : i32
    %mul3A_102 = arith.muli %scan3A_100, %mul3A_101 : i32
    %swap3A_103 = arith.index_cast %mul3A_102 : i32 to index
    %swap3A_104 = tpu.vector_load %arg5[%swap3A_103] {strides = array<i32>} : memref<12000xi32, #tpu.memory_space<vmem>>, vector<16xi32>,
    tpu.vector_store %arg5[%swap3A_103], %broadcast_in_dim3A_3 {strides = array<i32>} : memref<12000xi32, #tpu.memory_space<vmem>>, vector<16xi32>,
    %scan3A_105 = arith.constant 0 : i32
    %scan3A_106 = arith.constant 750 : i32
    tpu.wait_dma2 semaphore(%arg6 : memref<!tpu.dma_semaphore, #tpu.memory_space<semaphore_mem>>) src(%arg2 : memref<4096xi32, #tpu.memory_space<hbm>>) dst(%arg4 : memref<4096xi32, #tpu.memory_space<vmem>>)
    %iota3A = tpu.iota {dimensions = array<i32: 0>} : vector<16xi32>
    %broadcast_in_dim3A_107 = arith.constant 1 : i32
    %broadcast_in_dim3A_108 = vector.broadcast %broadcast_in_dim3A_107 : i32 to vector<16xi32>
    %scan3A_109 = arith.constant 0 : i32
    %scan3A_110 = arith.constant 0 : i32
    %scan3A_111 = arith.constant 256 : i32
    %scan3A_112 = arith.addi %scan3A_110, %scan3A_111 : i32
    %scan3A_113 = arith.constant 8 : i32
    %scan3A_114:2 = scf.for %scan3A_249 = %scan3A_110 to %scan3A_112 step %scan3A_113 iter_args(%scan3A_250 = %scan3A_109, %scan3A_251 = %broadcast_in_dim3A_3) -> (i32, vector<16xi32>)  : i32 {
      %mul3A_252 = arith.constant 16 : i32
      %mul3A_253 = arith.muli %scan3A_249, %mul3A_252 : i32
      %add3A_254 = vector.broadcast %mul3A_253 : i32 to vector<16xi32>
      %add3A_255 = arith.addi %add3A_254, %iota3A : vector<16xi32>
      %mul3A_256 = arith.constant 16 : i32
      %mul3A_257 = arith.muli %scan3A_249, %mul3A_256 : i32
      %get3A_258 = arith.index_cast %mul3A_257 : i32 to index
      %get3A_259 = tpu.vector_load %arg4[%get3A_258] {strides = array<i32>} : memref<4096xi32, #tpu.memory_space<vmem>>, vector<16xi32>,
      %cumsum3A_260 = arith.constant true
      %cumsum3A_261 = vector.broadcast %cumsum3A_260 : i1 to vector<16xi1>
      %cumsum3A_262 = tpu.scan <sum>, %get3A_259 masked %cumsum3A_261 : vector<16xi32>, vector<16xi1> -> vector<16xi32>
      %add3A_263 = vector.broadcast %scan3A_250 : i32 to vector<16xi32>
      %add3A_264 = arith.addi %cumsum3A_262, %add3A_263 : vector<16xi32>
      %lt3A_265 = arith.constant 4095 : i32
      %lt3A_266 = vector.broadcast %lt3A_265 : i32 to vector<16xi32>
      %lt3A_267 = arith.cmpi slt, %add3A_255, %lt3A_266 : vector<16xi32>
      %sub3A = vector.broadcast %mul3A_2 : i32 to vector<16xi32>
      %sub3A_268 = arith.subi %add3A_264, %sub3A : vector<16xi32>
      %ge3A = arith.constant 1 : i32
      %ge3A_269 = vector.broadcast %ge3A : i32 to vector<16xi32>
      %ge3A_270 = arith.cmpi sge, %sub3A_268, %ge3A_269 : vector<16xi32>
      %and3A = arith.andi %lt3A_267, %ge3A_270 : vector<16xi1>
      %lt3A_271 = arith.constant 12000 : i32
      %lt3A_272 = vector.broadcast %lt3A_271 : i32 to vector<16xi32>
      %lt3A_273 = arith.cmpi slt, %sub3A_268, %lt3A_272 : vector<16xi32>
      %and3A_274 = arith.andi %and3A, %lt3A_273 : vector<16xi1>
      %jit3A = arith.constant 0 : i32
      %jit3A_275 = arith.constant 11999 : i32
      %max3A = vector.broadcast %jit3A : i32 to vector<16xi32>
      %max3A_276 = arith.maxsi %max3A, %sub3A_268 : vector<16xi32>
      %min3A = vector.broadcast %jit3A_275 : i32 to vector<16xi32>
      %min3A_277 = arith.minsi %min3A, %max3A_276 : vector<16xi32>
      tpu.vector_store_idx %arg5[%min3A_277], %broadcast_in_dim3A_108 masked %and3A_274 : memref<12000xi32, #tpu.memory_space<vmem>>[vector<16xi32>], vector<16xi32>, vector<16xi1>
      %le3A = vector.broadcast %mul3A_2 : i32 to vector<16xi32>
      %le3A_278 = arith.cmpi sle, %add3A_264, %le3A : vector<16xi32>
      %and3A_279 = arith.andi %lt3A_267, %le3A_278 : vector<16xi1>
      %jit3A_280 = arith.constant 1 : i32
      %jit3A_281 = arith.constant 0 : i32
      %broadcast_in_dim3A_282 = vector.broadcast %jit3A_280 : i32 to vector<16xi32>
      %broadcast_in_dim3A_283 = vector.broadcast %jit3A_281 : i32 to vector<16xi32>
      %select_n3A = arith.select %and3A_279, %broadcast_in_dim3A_282, %broadcast_in_dim3A_283 : vector<16xi1>, vector<16xi32>
      %add3A_284 = arith.addi %scan3A_251, %select_n3A : vector<16xi32>
      %reduce_sum3A_285 = arith.constant true
      %reduce_sum3A_286 = vector.broadcast %reduce_sum3A_285 : i1 to vector<16xi1>
      %reduce_sum3A_287 = tpu.scan <sum>, %get3A_259 masked %reduce_sum3A_286 : vector<16xi32>, vector<16xi1> -> vector<16xi32>
      %reduce_sum3A_288 = vector.extract %reduce_sum3A_287[15] : i32 from vector<16xi32>
      %add3A_289 = arith.addi %scan3A_250, %reduce_sum3A_288 : i32
      %scan3A_290 = arith.constant 1 : i32
      %scan3A_291 = arith.addi %scan3A_249, %scan3A_290 : i32
      %mul3A_292 = arith.constant 16 : i32
      %mul3A_293 = arith.muli %scan3A_291, %mul3A_292 : i32
      %add3A_294 = vector.broadcast %mul3A_293 : i32 to vector<16xi32>
      %add3A_295 = arith.addi %add3A_294, %iota3A : vector<16xi32>
      %mul3A_296 = arith.constant 16 : i32
      %mul3A_297 = arith.muli %scan3A_291, %mul3A_296 : i32
      %get3A_298 = arith.index_cast %mul3A_297 : i32 to index
      %get3A_299 = tpu.vector_load %arg4[%get3A_298] {strides = array<i32>} : memref<4096xi32, #tpu.memory_space<vmem>>, vector<16xi32>,
      %cumsum3A_300 = arith.constant true
      %cumsum3A_301 = vector.broadcast %cumsum3A_300 : i1 to vector<16xi1>
      %cumsum3A_302 = tpu.scan <sum>, %get3A_299 masked %cumsum3A_301 : vector<16xi32>, vector<16xi1> -> vector<16xi32>
      %add3A_303 = vector.broadcast %add3A_289 : i32 to vector<16xi32>
      %add3A_304 = arith.addi %cumsum3A_302, %add3A_303 : vector<16xi32>
      %lt3A_305 = arith.constant 4095 : i32
      %lt3A_306 = vector.broadcast %lt3A_305 : i32 to vector<16xi32>
      %lt3A_307 = arith.cmpi slt, %add3A_295, %lt3A_306 : vector<16xi32>
      %sub3A_308 = vector.broadcast %mul3A_2 : i32 to vector<16xi32>
      %sub3A_309 = arith.subi %add3A_304, %sub3A_308 : vector<16xi32>
      %ge3A_310 = arith.constant 1 : i32
      %ge3A_311 = vector.broadcast %ge3A_310 : i32 to vector<16xi32>
      %ge3A_312 = arith.cmpi sge, %sub3A_309, %ge3A_311 : vector<16xi32>
      %and3A_313 = arith.andi %lt3A_307, %ge3A_312 : vector<16xi1>
      %lt3A_314 = arith.constant 12000 : i32
      %lt3A_315 = vector.broadcast %lt3A_314 : i32 to vector<16xi32>
      %lt3A_316 = arith.cmpi slt, %sub3A_309, %lt3A_315 : vector<16xi32>
      %and3A_317 = arith.andi %and3A_313, %lt3A_316 : vector<16xi1>
      %jit3A_318 = arith.constant 0 : i32
      %jit3A_319 = arith.constant 11999 : i32
      %max3A_320 = vector.broadcast %jit3A_318 : i32 to vector<16xi32>
      %max3A_321 = arith.maxsi %max3A_320, %sub3A_309 : vector<16xi32>
      %min3A_322 = vector.broadcast %jit3A_319 : i32 to vector<16xi32>
      %min3A_323 = arith.minsi %min3A_322, %max3A_321 : vector<16xi32>
      tpu.vector_store_idx %arg5[%min3A_323], %broadcast_in_dim3A_108 masked %and3A_317 : memref<12000xi32, #tpu.memory_space<vmem>>[vector<16xi32>], vector<16xi32>, vector<16xi1>
      %le3A_324 = vector.broadcast %mul3A_2 : i32 to vector<16xi32>
      %le3A_325 = arith.cmpi sle, %add3A_304, %le3A_324 : vector<16xi32>
      %and3A_326 = arith.andi %lt3A_307, %le3A_325 : vector<16xi1>
      %jit3A_327 = arith.constant 1 : i32
      %jit3A_328 = arith.constant 0 : i32
      %broadcast_in_dim3A_329 = vector.broadcast %jit3A_327 : i32 to vector<16xi32>
      %broadcast_in_dim3A_330 = vector.broadcast %jit3A_328 : i32 to vector<16xi32>
      %select_n3A_331 = arith.select %and3A_326, %broadcast_in_dim3A_329, %broadcast_in_dim3A_330 : vector<16xi1>, vector<16xi32>
      %add3A_332 = arith.addi %add3A_284, %select_n3A_331 : vector<16xi32>
      %reduce_sum3A_333 = arith.constant true
      %reduce_sum3A_334 = vector.broadcast %reduce_sum3A_333 : i1 to vector<16xi1>
      %reduce_sum3A_335 = tpu.scan <sum>, %get3A_299 masked %reduce_sum3A_334 : vector<16xi32>, vector<16xi1> -> vector<16xi32>
      %reduce_sum3A_336 = vector.extract %reduce_sum3A_335[15] : i32 from vector<16xi32>
      %add3A_337 = arith.addi %add3A_289, %reduce_sum3A_336 : i32
      %scan3A_338 = arith.constant 2 : i32
      %scan3A_339 = arith.addi %scan3A_249, %scan3A_338 : i32
      %mul3A_340 = arith.constant 16 : i32
      %mul3A_341 = arith.muli %scan3A_339, %mul3A_340 : i32
      %add3A_342 = vector.broadcast %mul3A_341 : i32 to vector<16xi32>
      %add3A_343 = arith.addi %add3A_342, %iota3A : vector<16xi32>
      %mul3A_344 = arith.constant 16 : i32
      %mul3A_345 = arith.muli %scan3A_339, %mul3A_344 : i32
      %get3A_346 = arith.index_cast %mul3A_345 : i32 to index
      %get3A_347 = tpu.vector_load %arg4[%get3A_346] {strides = array<i32>} : memref<4096xi32, #tpu.memory_space<vmem>>, vector<16xi32>,
      %cumsum3A_348 = arith.constant true
      %cumsum3A_349 = vector.broadcast %cumsum3A_348 : i1 to vector<16xi1>
      %cumsum3A_350 = tpu.scan <sum>, %get3A_347 masked %cumsum3A_349 : vector<16xi32>, vector<16xi1> -> vector<16xi32>
      %add3A_351 = vector.broadcast %add3A_337 : i32 to vector<16xi32>
      %add3A_352 = arith.addi %cumsum3A_350, %add3A_351 : vector<16xi32>
      %lt3A_353 = arith.constant 4095 : i32
      %lt3A_354 = vector.broadcast %lt3A_353 : i32 to vector<16xi32>
      %lt3A_355 = arith.cmpi slt, %add3A_343, %lt3A_354 : vector<16xi32>
      %sub3A_356 = vector.broadcast %mul3A_2 : i32 to vector<16xi32>
      %sub3A_357 = arith.subi %add3A_352, %sub3A_356 : vector<16xi32>
      %ge3A_358 = arith.constant 1 : i32
      %ge3A_359 = vector.broadcast %ge3A_358 : i32 to vector<16xi32>
      %ge3A_360 = arith.cmpi sge, %sub3A_357, %ge3A_359 : vector<16xi32>
      %and3A_361 = arith.andi %lt3A_355, %ge3A_360 : vector<16xi1>
      %lt3A_362 = arith.constant 12000 : i32
      %lt3A_363 = vector.broadcast %lt3A_362 : i32 to vector<16xi32>
      %lt3A_364 = arith.cmpi slt, %sub3A_357, %lt3A_363 : vector<16xi32>
      %and3A_365 = arith.andi %and3A_361, %lt3A_364 : vector<16xi1>
      %jit3A_366 = arith.constant 0 : i32
      %jit3A_367 = arith.constant 11999 : i32
      %max3A_368 = vector.broadcast %jit3A_366 : i32 to vector<16xi32>
      %max3A_369 = arith.maxsi %max3A_368, %sub3A_357 : vector<16xi32>
      %min3A_370 = vector.broadcast %jit3A_367 : i32 to vector<16xi32>
      %min3A_371 = arith.minsi %min3A_370, %max3A_369 : vector<16xi32>
      tpu.vector_store_idx %arg5[%min3A_371], %broadcast_in_dim3A_108 masked %and3A_365 : memref<12000xi32, #tpu.memory_space<vmem>>[vector<16xi32>], vector<16xi32>, vector<16xi1>
      %le3A_372 = vector.broadcast %mul3A_2 : i32 to vector<16xi32>
      %le3A_373 = arith.cmpi sle, %add3A_352, %le3A_372 : vector<16xi32>
      %and3A_374 = arith.andi %lt3A_355, %le3A_373 : vector<16xi1>
      %jit3A_375 = arith.constant 1 : i32
      %jit3A_376 = arith.constant 0 : i32
      %broadcast_in_dim3A_377 = vector.broadcast %jit3A_375 : i32 to vector<16xi32>
      %broadcast_in_dim3A_378 = vector.broadcast %jit3A_376 : i32 to vector<16xi32>
      %select_n3A_379 = arith.select %and3A_374, %broadcast_in_dim3A_377, %broadcast_in_dim3A_378 : vector<16xi1>, vector<16xi32>
      %add3A_380 = arith.addi %add3A_332, %select_n3A_379 : vector<16xi32>
      %reduce_sum3A_381 = arith.constant true
      %reduce_sum3A_382 = vector.broadcast %reduce_sum3A_381 : i1 to vector<16xi1>
      %reduce_sum3A_383 = tpu.scan <sum>, %get3A_347 masked %reduce_sum3A_382 : vector<16xi32>, vector<16xi1> -> vector<16xi32>
      %reduce_sum3A_384 = vector.extract %reduce_sum3A_383[15] : i32 from vector<16xi32>
      %add3A_385 = arith.addi %add3A_337, %reduce_sum3A_384 : i32
      %scan3A_386 = arith.constant 3 : i32
      %scan3A_387 = arith.addi %scan3A_249, %scan3A_386 : i32
      %mul3A_388 = arith.constant 16 : i32
      %mul3A_389 = arith.muli %scan3A_387, %mul3A_388 : i32
      %add3A_390 = vector.broadcast %mul3A_389 : i32 to vector<16xi32>
      %add3A_391 = arith.addi %add3A_390, %iota3A : vector<16xi32>
      %mul3A_392 = arith.constant 16 : i32
      %mul3A_393 = arith.muli %scan3A_387, %mul3A_392 : i32
      %get3A_394 = arith.index_cast %mul3A_393 : i32 to index
      %get3A_395 = tpu.vector_load %arg4[%get3A_394] {strides = array<i32>} : memref<4096xi32, #tpu.memory_space<vmem>>, vector<16xi32>,
      %cumsum3A_396 = arith.constant true
      %cumsum3A_397 = vector.broadcast %cumsum3A_396 : i1 to vector<16xi1>
      %cumsum3A_398 = tpu.scan <sum>, %get3A_395 masked %cumsum3A_397 : vector<16xi32>, vector<16xi1> -> vector<16xi32>
      %add3A_399 = vector.broadcast %add3A_385 : i32 to vector<16xi32>
      %add3A_400 = arith.addi %cumsum3A_398, %add3A_399 : vector<16xi32>
      %lt3A_401 = arith.constant 4095 : i32
      %lt3A_402 = vector.broadcast %lt3A_401 : i32 to vector<16xi32>
      %lt3A_403 = arith.cmpi slt, %add3A_391, %lt3A_402 : vector<16xi32>
      %sub3A_404 = vector.broadcast %mul3A_2 : i32 to vector<16xi32>
      %sub3A_405 = arith.subi %add3A_400, %sub3A_404 : vector<16xi32>
      %ge3A_406 = arith.constant 1 : i32
      %ge3A_407 = vector.broadcast %ge3A_406 : i32 to vector<16xi32>
      %ge3A_408 = arith.cmpi sge, %sub3A_405, %ge3A_407 : vector<16xi32>
      %and3A_409 = arith.andi %lt3A_403, %ge3A_408 : vector<16xi1>
      %lt3A_410 = arith.constant 12000 : i32
      %lt3A_411 = vector.broadcast %lt3A_410 : i32 to vector<16xi32>
      %lt3A_412 = arith.cmpi slt, %sub3A_405, %lt3A_411 : vector<16xi32>
      %and3A_413 = arith.andi %and3A_409, %lt3A_412 : vector<16xi1>
      %jit3A_414 = arith.constant 0 : i32
      %jit3A_415 = arith.constant 11999 : i32
      %max3A_416 = vector.broadcast %jit3A_414 : i32 to vector<16xi32>
      %max3A_417 = arith.maxsi %max3A_416, %sub3A_405 : vector<16xi32>
      %min3A_418 = vector.broadcast %jit3A_415 : i32 to vector<16xi32>
      %min3A_419 = arith.minsi %min3A_418, %max3A_417 : vector<16xi32>
      tpu.vector_store_idx %arg5[%min3A_419], %broadcast_in_dim3A_108 masked %and3A_413 : memref<12000xi32, #tpu.memory_space<vmem>>[vector<16xi32>], vector<16xi32>, vector<16xi1>
      %le3A_420 = vector.broadcast %mul3A_2 : i32 to vector<16xi32>
      %le3A_421 = arith.cmpi sle, %add3A_400, %le3A_420 : vector<16xi32>
      %and3A_422 = arith.andi %lt3A_403, %le3A_421 : vector<16xi1>
      %jit3A_423 = arith.constant 1 : i32
      %jit3A_424 = arith.constant 0 : i32
      %broadcast_in_dim3A_425 = vector.broadcast %jit3A_423 : i32 to vector<16xi32>
      %broadcast_in_dim3A_426 = vector.broadcast %jit3A_424 : i32 to vector<16xi32>
      %select_n3A_427 = arith.select %and3A_422, %broadcast_in_dim3A_425, %broadcast_in_dim3A_426 : vector<16xi1>, vector<16xi32>
      %add3A_428 = arith.addi %add3A_380, %select_n3A_427 : vector<16xi32>
      %reduce_sum3A_429 = arith.constant true
      %reduce_sum3A_430 = vector.broadcast %reduce_sum3A_429 : i1 to vector<16xi1>
      %reduce_sum3A_431 = tpu.scan <sum>, %get3A_395 masked %reduce_sum3A_430 : vector<16xi32>, vector<16xi1> -> vector<16xi32>
      %reduce_sum3A_432 = vector.extract %reduce_sum3A_431[15] : i32 from vector<16xi32>
      %add3A_433 = arith.addi %add3A_385, %reduce_sum3A_432 : i32
      %scan3A_434 = arith.constant 4 : i32
      %scan3A_435 = arith.addi %scan3A_249, %scan3A_434 : i32
      %mul3A_436 = arith.constant 16 : i32
      %mul3A_437 = arith.muli %scan3A_435, %mul3A_436 : i32
      %add3A_438 = vector.broadcast %mul3A_437 : i32 to vector<16xi32>
      %add3A_439 = arith.addi %add3A_438, %iota3A : vector<16xi32>
      %mul3A_440 = arith.constant 16 : i32
      %mul3A_441 = arith.muli %scan3A_435, %mul3A_440 : i32
      %get3A_442 = arith.index_cast %mul3A_441 : i32 to index
      %get3A_443 = tpu.vector_load %arg4[%get3A_442] {strides = array<i32>} : memref<4096xi32, #tpu.memory_space<vmem>>, vector<16xi32>,
      %cumsum3A_444 = arith.constant true
      %cumsum3A_445 = vector.broadcast %cumsum3A_444 : i1 to vector<16xi1>
      %cumsum3A_446 = tpu.scan <sum>, %get3A_443 masked %cumsum3A_445 : vector<16xi32>, vector<16xi1> -> vector<16xi32>
      %add3A_447 = vector.broadcast %add3A_433 : i32 to vector<16xi32>
      %add3A_448 = arith.addi %cumsum3A_446, %add3A_447 : vector<16xi32>
      %lt3A_449 = arith.constant 4095 : i32
      %lt3A_450 = vector.broadcast %lt3A_449 : i32 to vector<16xi32>
      %lt3A_451 = arith.cmpi slt, %add3A_439, %lt3A_450 : vector<16xi32>
      %sub3A_452 = vector.broadcast %mul3A_2 : i32 to vector<16xi32>
      %sub3A_453 = arith.subi %add3A_448, %sub3A_452 : vector<16xi32>
      %ge3A_454 = arith.constant 1 : i32
      %ge3A_455 = vector.broadcast %ge3A_454 : i32 to vector<16xi32>
      %ge3A_456 = arith.cmpi sge, %sub3A_453, %ge3A_455 : vector<16xi32>
      %and3A_457 = arith.andi %lt3A_451, %ge3A_456 : vector<16xi1>
      %lt3A_458 = arith.constant 12000 : i32
      %lt3A_459 = vector.broadcast %lt3A_458 : i32 to vector<16xi32>
      %lt3A_460 = arith.cmpi slt, %sub3A_453, %lt3A_459 : vector<16xi32>
      %and3A_461 = arith.andi %and3A_457, %lt3A_460 : vector<16xi1>
      %jit3A_462 = arith.constant 0 : i32
      %jit3A_463 = arith.constant 11999 : i32
      %max3A_464 = vector.broadcast %jit3A_462 : i32 to vector<16xi32>
      %max3A_465 = arith.maxsi %max3A_464, %sub3A_453 : vector<16xi32>
      %min3A_466 = vector.broadcast %jit3A_463 : i32 to vector<16xi32>
      %min3A_467 = arith.minsi %min3A_466, %max3A_465 : vector<16xi32>
      tpu.vector_store_idx %arg5[%min3A_467], %broadcast_in_dim3A_108 masked %and3A_461 : memref<12000xi32, #tpu.memory_space<vmem>>[vector<16xi32>], vector<16xi32>, vector<16xi1>
      %le3A_468 = vector.broadcast %mul3A_2 : i32 to vector<16xi32>
      %le3A_469 = arith.cmpi sle, %add3A_448, %le3A_468 : vector<16xi32>
      %and3A_470 = arith.andi %lt3A_451, %le3A_469 : vector<16xi1>
      %jit3A_471 = arith.constant 1 : i32
      %jit3A_472 = arith.constant 0 : i32
      %broadcast_in_dim3A_473 = vector.broadcast %jit3A_471 : i32 to vector<16xi32>
      %broadcast_in_dim3A_474 = vector.broadcast %jit3A_472 : i32 to vector<16xi32>
      %select_n3A_475 = arith.select %and3A_470, %broadcast_in_dim3A_473, %broadcast_in_dim3A_474 : vector<16xi1>, vector<16xi32>
      %add3A_476 = arith.addi %add3A_428, %select_n3A_475 : vector<16xi32>
      %reduce_sum3A_477 = arith.constant true
      %reduce_sum3A_478 = vector.broadcast %reduce_sum3A_477 : i1 to vector<16xi1>
      %reduce_sum3A_479 = tpu.scan <sum>, %get3A_443 masked %reduce_sum3A_478 : vector<16xi32>, vector<16xi1> -> vector<16xi32>
      %reduce_sum3A_480 = vector.extract %reduce_sum3A_479[15] : i32 from vector<16xi32>
      %add3A_481 = arith.addi %add3A_433, %reduce_sum3A_480 : i32
      %scan3A_482 = arith.constant 5 : i32
      %scan3A_483 = arith.addi %scan3A_249, %scan3A_482 : i32
      %mul3A_484 = arith.constant 16 : i32
      %mul3A_485 = arith.muli %scan3A_483, %mul3A_484 : i32
      %add3A_486 = vector.broadcast %mul3A_485 : i32 to vector<16xi32>
      %add3A_487 = arith.addi %add3A_486, %iota3A : vector<16xi32>
      %mul3A_488 = arith.constant 16 : i32
      %mul3A_489 = arith.muli %scan3A_483, %mul3A_488 : i32
      %get3A_490 = arith.index_cast %mul3A_489 : i32 to index
      %get3A_491 = tpu.vector_load %arg4[%get3A_490] {strides = array<i32>} : memref<4096xi32, #tpu.memory_space<vmem>>, vector<16xi32>,
      %cumsum3A_492 = arith.constant true
      %cumsum3A_493 = vector.broadcast %cumsum3A_492 : i1 to vector<16xi1>
      %cumsum3A_494 = tpu.scan <sum>, %get3A_491 masked %cumsum3A_493 : vector<16xi32>, vector<16xi1> -> vector<16xi32>
      %add3A_495 = vector.broadcast %add3A_481 : i32 to vector<16xi32>
      %add3A_496 = arith.addi %cumsum3A_494, %add3A_495 : vector<16xi32>
      %lt3A_497 = arith.constant 4095 : i32
      %lt3A_498 = vector.broadcast %lt3A_497 : i32 to vector<16xi32>
      %lt3A_499 = arith.cmpi slt, %add3A_487, %lt3A_498 : vector<16xi32>
      %sub3A_500 = vector.broadcast %mul3A_2 : i32 to vector<16xi32>
      %sub3A_501 = arith.subi %add3A_496, %sub3A_500 : vector<16xi32>
      %ge3A_502 = arith.constant 1 : i32
      %ge3A_503 = vector.broadcast %ge3A_502 : i32 to vector<16xi32>
      %ge3A_504 = arith.cmpi sge, %sub3A_501, %ge3A_503 : vector<16xi32>
      %and3A_505 = arith.andi %lt3A_499, %ge3A_504 : vector<16xi1>
      %lt3A_506 = arith.constant 12000 : i32
      %lt3A_507 = vector.broadcast %lt3A_506 : i32 to vector<16xi32>
      %lt3A_508 = arith.cmpi slt, %sub3A_501, %lt3A_507 : vector<16xi32>
      %and3A_509 = arith.andi %and3A_505, %lt3A_508 : vector<16xi1>
      %jit3A_510 = arith.constant 0 : i32
      %jit3A_511 = arith.constant 11999 : i32
      %max3A_512 = vector.broadcast %jit3A_510 : i32 to vector<16xi32>
      %max3A_513 = arith.maxsi %max3A_512, %sub3A_501 : vector<16xi32>
      %min3A_514 = vector.broadcast %jit3A_511 : i32 to vector<16xi32>
      %min3A_515 = arith.minsi %min3A_514, %max3A_513 : vector<16xi32>
      tpu.vector_store_idx %arg5[%min3A_515], %broadcast_in_dim3A_108 masked %and3A_509 : memref<12000xi32, #tpu.memory_space<vmem>>[vector<16xi32>], vector<16xi32>, vector<16xi1>
      %le3A_516 = vector.broadcast %mul3A_2 : i32 to vector<16xi32>
      %le3A_517 = arith.cmpi sle, %add3A_496, %le3A_516 : vector<16xi32>
      %and3A_518 = arith.andi %lt3A_499, %le3A_517 : vector<16xi1>
      %jit3A_519 = arith.constant 1 : i32
      %jit3A_520 = arith.constant 0 : i32
      %broadcast_in_dim3A_521 = vector.broadcast %jit3A_519 : i32 to vector<16xi32>
      %broadcast_in_dim3A_522 = vector.broadcast %jit3A_520 : i32 to vector<16xi32>
      %select_n3A_523 = arith.select %and3A_518, %broadcast_in_dim3A_521, %broadcast_in_dim3A_522 : vector<16xi1>, vector<16xi32>
      %add3A_524 = arith.addi %add3A_476, %select_n3A_523 : vector<16xi32>
      %reduce_sum3A_525 = arith.constant true
      %reduce_sum3A_526 = vector.broadcast %reduce_sum3A_525 : i1 to vector<16xi1>
      %reduce_sum3A_527 = tpu.scan <sum>, %get3A_491 masked %reduce_sum3A_526 : vector<16xi32>, vector<16xi1> -> vector<16xi32>
      %reduce_sum3A_528 = vector.extract %reduce_sum3A_527[15] : i32 from vector<16xi32>
      %add3A_529 = arith.addi %add3A_481, %reduce_sum3A_528 : i32
      %scan3A_530 = arith.constant 6 : i32
      %scan3A_531 = arith.addi %scan3A_249, %scan3A_530 : i32
      %mul3A_532 = arith.constant 16 : i32
      %mul3A_533 = arith.muli %scan3A_531, %mul3A_532 : i32
      %add3A_534 = vector.broadcast %mul3A_533 : i32 to vector<16xi32>
      %add3A_535 = arith.addi %add3A_534, %iota3A : vector<16xi32>
      %mul3A_536 = arith.constant 16 : i32
      %mul3A_537 = arith.muli %scan3A_531, %mul3A_536 : i32
      %get3A_538 = arith.index_cast %mul3A_537 : i32 to index
      %get3A_539 = tpu.vector_load %arg4[%get3A_538] {strides = array<i32>} : memref<4096xi32, #tpu.memory_space<vmem>>, vector<16xi32>,
      %cumsum3A_540 = arith.constant true
      %cumsum3A_541 = vector.broadcast %cumsum3A_540 : i1 to vector<16xi1>
      %cumsum3A_542 = tpu.scan <sum>, %get3A_539 masked %cumsum3A_541 : vector<16xi32>, vector<16xi1> -> vector<16xi32>
      %add3A_543 = vector.broadcast %add3A_529 : i32 to vector<16xi32>
      %add3A_544 = arith.addi %cumsum3A_542, %add3A_543 : vector<16xi32>
      %lt3A_545 = arith.constant 4095 : i32
      %lt3A_546 = vector.broadcast %lt3A_545 : i32 to vector<16xi32>
      %lt3A_547 = arith.cmpi slt, %add3A_535, %lt3A_546 : vector<16xi32>
      %sub3A_548 = vector.broadcast %mul3A_2 : i32 to vector<16xi32>
      %sub3A_549 = arith.subi %add3A_544, %sub3A_548 : vector<16xi32>
      %ge3A_550 = arith.constant 1 : i32
      %ge3A_551 = vector.broadcast %ge3A_550 : i32 to vector<16xi32>
      %ge3A_552 = arith.cmpi sge, %sub3A_549, %ge3A_551 : vector<16xi32>
      %and3A_553 = arith.andi %lt3A_547, %ge3A_552 : vector<16xi1>
      %lt3A_554 = arith.constant 12000 : i32
      %lt3A_555 = vector.broadcast %lt3A_554 : i32 to vector<16xi32>
      %lt3A_556 = arith.cmpi slt, %sub3A_549, %lt3A_555 : vector<16xi32>
      %and3A_557 = arith.andi %and3A_553, %lt3A_556 : vector<16xi1>
      %jit3A_558 = arith.constant 0 : i32
      %jit3A_559 = arith.constant 11999 : i32
      %max3A_560 = vector.broadcast %jit3A_558 : i32 to vector<16xi32>
      %max3A_561 = arith.maxsi %max3A_560, %sub3A_549 : vector<16xi32>
      %min3A_562 = vector.broadcast %jit3A_559 : i32 to vector<16xi32>
      %min3A_563 = arith.minsi %min3A_562, %max3A_561 : vector<16xi32>
      tpu.vector_store_idx %arg5[%min3A_563], %broadcast_in_dim3A_108 masked %and3A_557 : memref<12000xi32, #tpu.memory_space<vmem>>[vector<16xi32>], vector<16xi32>, vector<16xi1>
      %le3A_564 = vector.broadcast %mul3A_2 : i32 to vector<16xi32>
      %le3A_565 = arith.cmpi sle, %add3A_544, %le3A_564 : vector<16xi32>
      %and3A_566 = arith.andi %lt3A_547, %le3A_565 : vector<16xi1>
      %jit3A_567 = arith.constant 1 : i32
      %jit3A_568 = arith.constant 0 : i32
      %broadcast_in_dim3A_569 = vector.broadcast %jit3A_567 : i32 to vector<16xi32>
      %broadcast_in_dim3A_570 = vector.broadcast %jit3A_568 : i32 to vector<16xi32>
      %select_n3A_571 = arith.select %and3A_566, %broadcast_in_dim3A_569, %broadcast_in_dim3A_570 : vector<16xi1>, vector<16xi32>
      %add3A_572 = arith.addi %add3A_524, %select_n3A_571 : vector<16xi32>
      %reduce_sum3A_573 = arith.constant true
      %reduce_sum3A_574 = vector.broadcast %reduce_sum3A_573 : i1 to vector<16xi1>
      %reduce_sum3A_575 = tpu.scan <sum>, %get3A_539 masked %reduce_sum3A_574 : vector<16xi32>, vector<16xi1> -> vector<16xi32>
      %reduce_sum3A_576 = vector.extract %reduce_sum3A_575[15] : i32 from vector<16xi32>
      %add3A_577 = arith.addi %add3A_529, %reduce_sum3A_576 : i32
      %scan3A_578 = arith.constant 7 : i32
      %scan3A_579 = arith.addi %scan3A_249, %scan3A_578 : i32
      %mul3A_580 = arith.constant 16 : i32
      %mul3A_581 = arith.muli %scan3A_579, %mul3A_580 : i32
      %add3A_582 = vector.broadcast %mul3A_581 : i32 to vector<16xi32>
      %add3A_583 = arith.addi %add3A_582, %iota3A : vector<16xi32>
      %mul3A_584 = arith.constant 16 : i32
      %mul3A_585 = arith.muli %scan3A_579, %mul3A_584 : i32
      %get3A_586 = arith.index_cast %mul3A_585 : i32 to index
      %get3A_587 = tpu.vector_load %arg4[%get3A_586] {strides = array<i32>} : memref<4096xi32, #tpu.memory_space<vmem>>, vector<16xi32>,
      %cumsum3A_588 = arith.constant true
      %cumsum3A_589 = vector.broadcast %cumsum3A_588 : i1 to vector<16xi1>
      %cumsum3A_590 = tpu.scan <sum>, %get3A_587 masked %cumsum3A_589 : vector<16xi32>, vector<16xi1> -> vector<16xi32>
      %add3A_591 = vector.broadcast %add3A_577 : i32 to vector<16xi32>
      %add3A_592 = arith.addi %cumsum3A_590, %add3A_591 : vector<16xi32>
      %lt3A_593 = arith.constant 4095 : i32
      %lt3A_594 = vector.broadcast %lt3A_593 : i32 to vector<16xi32>
      %lt3A_595 = arith.cmpi slt, %add3A_583, %lt3A_594 : vector<16xi32>
      %sub3A_596 = vector.broadcast %mul3A_2 : i32 to vector<16xi32>
      %sub3A_597 = arith.subi %add3A_592, %sub3A_596 : vector<16xi32>
      %ge3A_598 = arith.constant 1 : i32
      %ge3A_599 = vector.broadcast %ge3A_598 : i32 to vector<16xi32>
      %ge3A_600 = arith.cmpi sge, %sub3A_597, %ge3A_599 : vector<16xi32>
      %and3A_601 = arith.andi %lt3A_595, %ge3A_600 : vector<16xi1>
      %lt3A_602 = arith.constant 12000 : i32
      %lt3A_603 = vector.broadcast %lt3A_602 : i32 to vector<16xi32>
      %lt3A_604 = arith.cmpi slt, %sub3A_597, %lt3A_603 : vector<16xi32>
      %and3A_605 = arith.andi %and3A_601, %lt3A_604 : vector<16xi1>
      %jit3A_606 = arith.constant 0 : i32
      %jit3A_607 = arith.constant 11999 : i32
      %max3A_608 = vector.broadcast %jit3A_606 : i32 to vector<16xi32>
      %max3A_609 = arith.maxsi %max3A_608, %sub3A_597 : vector<16xi32>
      %min3A_610 = vector.broadcast %jit3A_607 : i32 to vector<16xi32>
      %min3A_611 = arith.minsi %min3A_610, %max3A_609 : vector<16xi32>
      tpu.vector_store_idx %arg5[%min3A_611], %broadcast_in_dim3A_108 masked %and3A_605 : memref<12000xi32, #tpu.memory_space<vmem>>[vector<16xi32>], vector<16xi32>, vector<16xi1>
      %le3A_612 = vector.broadcast %mul3A_2 : i32 to vector<16xi32>
      %le3A_613 = arith.cmpi sle, %add3A_592, %le3A_612 : vector<16xi32>
      %and3A_614 = arith.andi %lt3A_595, %le3A_613 : vector<16xi1>
      %jit3A_615 = arith.constant 1 : i32
      %jit3A_616 = arith.constant 0 : i32
      %broadcast_in_dim3A_617 = vector.broadcast %jit3A_615 : i32 to vector<16xi32>
      %broadcast_in_dim3A_618 = vector.broadcast %jit3A_616 : i32 to vector<16xi32>
      %select_n3A_619 = arith.select %and3A_614, %broadcast_in_dim3A_617, %broadcast_in_dim3A_618 : vector<16xi1>, vector<16xi32>
      %add3A_620 = arith.addi %add3A_572, %select_n3A_619 : vector<16xi32>
      %reduce_sum3A_621 = arith.constant true
      %reduce_sum3A_622 = vector.broadcast %reduce_sum3A_621 : i1 to vector<16xi1>
      %reduce_sum3A_623 = tpu.scan <sum>, %get3A_587 masked %reduce_sum3A_622 : vector<16xi32>, vector<16xi1> -> vector<16xi32>
      %reduce_sum3A_624 = vector.extract %reduce_sum3A_623[15] : i32 from vector<16xi32>
      %add3A_625 = arith.addi %add3A_577, %reduce_sum3A_624 : i32
      scf.yield %add3A_625, %add3A_620 : i32, vector<16xi32>
    }
    %scan3A_115 = arith.constant 256 : i32
    %reduce_sum3A = arith.constant true
    %reduce_sum3A_116 = vector.broadcast %reduce_sum3A : i1 to vector<16xi1>
    %reduce_sum3A_117 = tpu.scan <sum>, %scan3A_114#1 masked %reduce_sum3A_116 : vector<16xi32>, vector<16xi1> -> vector<16xi32>
    %reduce_sum3A_118 = vector.extract %reduce_sum3A_117[15] : i32 from vector<16xi32>
    %scan3A_119 = arith.constant 0 : i32
    %scan3A_120 = arith.constant 744 : i32
    %scan3A_121 = arith.addi %scan3A_119, %scan3A_120 : i32
    %scan3A_122 = arith.constant 12 : i32
    %scan3A_123 = scf.for %scan3A_249 = %scan3A_119 to %scan3A_121 step %scan3A_122 iter_args(%scan3A_250 = %reduce_sum3A_118) -> (i32)  : i32 {
      %mul3A_251 = arith.constant 16 : i32
      %mul3A_252 = arith.muli %scan3A_249, %mul3A_251 : i32
      %get3A_253 = arith.index_cast %mul3A_252 : i32 to index
      %get3A_254 = tpu.vector_load %arg5[%get3A_253] {strides = array<i32>} : memref<12000xi32, #tpu.memory_space<vmem>>, vector<16xi32>,
      %cumsum3A_255 = arith.constant true
      %cumsum3A_256 = vector.broadcast %cumsum3A_255 : i1 to vector<16xi1>
      %cumsum3A_257 = tpu.scan <sum>, %get3A_254 masked %cumsum3A_256 : vector<16xi32>, vector<16xi1> -> vector<16xi32>
      %add3A_258 = vector.broadcast %scan3A_250 : i32 to vector<16xi32>
      %add3A_259 = arith.addi %cumsum3A_257, %add3A_258 : vector<16xi32>
      %mul3A_260 = arith.constant 16 : i32
      %mul3A_261 = arith.muli %scan3A_249, %mul3A_260 : i32
      %swap3A_262 = arith.index_cast %mul3A_261 : i32 to index
      %swap3A_263 = tpu.vector_load %arg5[%swap3A_262] {strides = array<i32>} : memref<12000xi32, #tpu.memory_space<vmem>>, vector<16xi32>,
      tpu.vector_store %arg5[%swap3A_262], %add3A_259 {strides = array<i32>} : memref<12000xi32, #tpu.memory_space<vmem>>, vector<16xi32>,
      %reduce_sum3A_264 = arith.constant true
      %reduce_sum3A_265 = vector.broadcast %reduce_sum3A_264 : i1 to vector<16xi1>
      %reduce_sum3A_266 = tpu.scan <sum>, %get3A_254 masked %reduce_sum3A_265 : vector<16xi32>, vector<16xi1> -> vector<16xi32>
      %reduce_sum3A_267 = vector.extract %reduce_sum3A_266[15] : i32 from vector<16xi32>
      %add3A_268 = arith.addi %scan3A_250, %reduce_sum3A_267 : i32
      %scan3A_269 = arith.constant 1 : i32
      %scan3A_270 = arith.addi %scan3A_249, %scan3A_269 : i32
      %mul3A_271 = arith.constant 16 : i32
      %mul3A_272 = arith.muli %scan3A_270, %mul3A_271 : i32
      %get3A_273 = arith.index_cast %mul3A_272 : i32 to index
      %get3A_274 = tpu.vector_load %arg5[%get3A_273] {strides = array<i32>} : memref<12000xi32, #tpu.memory_space<vmem>>, vector<16xi32>,
      %cumsum3A_275 = arith.constant true
      %cumsum3A_276 = vector.broadcast %cumsum3A_275 : i1 to vector<16xi1>
      %cumsum3A_277 = tpu.scan <sum>, %get3A_274 masked %cumsum3A_276 : vector<16xi32>, vector<16xi1> -> vector<16xi32>
      %add3A_278 = vector.broadcast %add3A_268 : i32 to vector<16xi32>
      %add3A_279 = arith.addi %cumsum3A_277, %add3A_278 : vector<16xi32>
      %mul3A_280 = arith.constant 16 : i32
      %mul3A_281 = arith.muli %scan3A_270, %mul3A_280 : i32
      %swap3A_282 = arith.index_cast %mul3A_281 : i32 to index
      %swap3A_283 = tpu.vector_load %arg5[%swap3A_282] {strides = array<i32>} : memref<12000xi32, #tpu.memory_space<vmem>>, vector<16xi32>,
      tpu.vector_store %arg5[%swap3A_282], %add3A_279 {strides = array<i32>} : memref<12000xi32, #tpu.memory_space<vmem>>, vector<16xi32>,
      %reduce_sum3A_284 = arith.constant true
      %reduce_sum3A_285 = vector.broadcast %reduce_sum3A_284 : i1 to vector<16xi1>
      %reduce_sum3A_286 = tpu.scan <sum>, %get3A_274 masked %reduce_sum3A_285 : vector<16xi32>, vector<16xi1> -> vector<16xi32>
      %reduce_sum3A_287 = vector.extract %reduce_sum3A_286[15] : i32 from vector<16xi32>
      %add3A_288 = arith.addi %add3A_268, %reduce_sum3A_287 : i32
      %scan3A_289 = arith.constant 2 : i32
      %scan3A_290 = arith.addi %scan3A_249, %scan3A_289 : i32
      %mul3A_291 = arith.constant 16 : i32
      %mul3A_292 = arith.muli %scan3A_290, %mul3A_291 : i32
      %get3A_293 = arith.index_cast %mul3A_292 : i32 to index
      %get3A_294 = tpu.vector_load %arg5[%get3A_293] {strides = array<i32>} : memref<12000xi32, #tpu.memory_space<vmem>>, vector<16xi32>,
      %cumsum3A_295 = arith.constant true
      %cumsum3A_296 = vector.broadcast %cumsum3A_295 : i1 to vector<16xi1>
      %cumsum3A_297 = tpu.scan <sum>, %get3A_294 masked %cumsum3A_296 : vector<16xi32>, vector<16xi1> -> vector<16xi32>
      %add3A_298 = vector.broadcast %add3A_288 : i32 to vector<16xi32>
      %add3A_299 = arith.addi %cumsum3A_297, %add3A_298 : vector<16xi32>
      %mul3A_300 = arith.constant 16 : i32
      %mul3A_301 = arith.muli %scan3A_290, %mul3A_300 : i32
      %swap3A_302 = arith.index_cast %mul3A_301 : i32 to index
      %swap3A_303 = tpu.vector_load %arg5[%swap3A_302] {strides = array<i32>} : memref<12000xi32, #tpu.memory_space<vmem>>, vector<16xi32>,
      tpu.vector_store %arg5[%swap3A_302], %add3A_299 {strides = array<i32>} : memref<12000xi32, #tpu.memory_space<vmem>>, vector<16xi32>,
      %reduce_sum3A_304 = arith.constant true
      %reduce_sum3A_305 = vector.broadcast %reduce_sum3A_304 : i1 to vector<16xi1>
      %reduce_sum3A_306 = tpu.scan <sum>, %get3A_294 masked %reduce_sum3A_305 : vector<16xi32>, vector<16xi1> -> vector<16xi32>
      %reduce_sum3A_307 = vector.extract %reduce_sum3A_306[15] : i32 from vector<16xi32>
      %add3A_308 = arith.addi %add3A_288, %reduce_sum3A_307 : i32
      %scan3A_309 = arith.constant 3 : i32
      %scan3A_310 = arith.addi %scan3A_249, %scan3A_309 : i32
      %mul3A_311 = arith.constant 16 : i32
      %mul3A_312 = arith.muli %scan3A_310, %mul3A_311 : i32
      %get3A_313 = arith.index_cast %mul3A_312 : i32 to index
      %get3A_314 = tpu.vector_load %arg5[%get3A_313] {strides = array<i32>} : memref<12000xi32, #tpu.memory_space<vmem>>, vector<16xi32>,
      %cumsum3A_315 = arith.constant true
      %cumsum3A_316 = vector.broadcast %cumsum3A_315 : i1 to vector<16xi1>
      %cumsum3A_317 = tpu.scan <sum>, %get3A_314 masked %cumsum3A_316 : vector<16xi32>, vector<16xi1> -> vector<16xi32>
      %add3A_318 = vector.broadcast %add3A_308 : i32 to vector<16xi32>
      %add3A_319 = arith.addi %cumsum3A_317, %add3A_318 : vector<16xi32>
      %mul3A_320 = arith.constant 16 : i32
      %mul3A_321 = arith.muli %scan3A_310, %mul3A_320 : i32
      %swap3A_322 = arith.index_cast %mul3A_321 : i32 to index
      %swap3A_323 = tpu.vector_load %arg5[%swap3A_322] {strides = array<i32>} : memref<12000xi32, #tpu.memory_space<vmem>>, vector<16xi32>,
      tpu.vector_store %arg5[%swap3A_322], %add3A_319 {strides = array<i32>} : memref<12000xi32, #tpu.memory_space<vmem>>, vector<16xi32>,
      %reduce_sum3A_324 = arith.constant true
      %reduce_sum3A_325 = vector.broadcast %reduce_sum3A_324 : i1 to vector<16xi1>
      %reduce_sum3A_326 = tpu.scan <sum>, %get3A_314 masked %reduce_sum3A_325 : vector<16xi32>, vector<16xi1> -> vector<16xi32>
      %reduce_sum3A_327 = vector.extract %reduce_sum3A_326[15] : i32 from vector<16xi32>
      %add3A_328 = arith.addi %add3A_308, %reduce_sum3A_327 : i32
      %scan3A_329 = arith.constant 4 : i32
      %scan3A_330 = arith.addi %scan3A_249, %scan3A_329 : i32
      %mul3A_331 = arith.constant 16 : i32
      %mul3A_332 = arith.muli %scan3A_330, %mul3A_331 : i32
      %get3A_333 = arith.index_cast %mul3A_332 : i32 to index
      %get3A_334 = tpu.vector_load %arg5[%get3A_333] {strides = array<i32>} : memref<12000xi32, #tpu.memory_space<vmem>>, vector<16xi32>,
      %cumsum3A_335 = arith.constant true
      %cumsum3A_336 = vector.broadcast %cumsum3A_335 : i1 to vector<16xi1>
      %cumsum3A_337 = tpu.scan <sum>, %get3A_334 masked %cumsum3A_336 : vector<16xi32>, vector<16xi1> -> vector<16xi32>
      %add3A_338 = vector.broadcast %add3A_328 : i32 to vector<16xi32>
      %add3A_339 = arith.addi %cumsum3A_337, %add3A_338 : vector<16xi32>
      %mul3A_340 = arith.constant 16 : i32
      %mul3A_341 = arith.muli %scan3A_330, %mul3A_340 : i32
      %swap3A_342 = arith.index_cast %mul3A_341 : i32 to index
      %swap3A_343 = tpu.vector_load %arg5[%swap3A_342] {strides = array<i32>} : memref<12000xi32, #tpu.memory_space<vmem>>, vector<16xi32>,
      tpu.vector_store %arg5[%swap3A_342], %add3A_339 {strides = array<i32>} : memref<12000xi32, #tpu.memory_space<vmem>>, vector<16xi32>,
      %reduce_sum3A_344 = arith.constant true
      %reduce_sum3A_345 = vector.broadcast %reduce_sum3A_344 : i1 to vector<16xi1>
      %reduce_sum3A_346 = tpu.scan <sum>, %get3A_334 masked %reduce_sum3A_345 : vector<16xi32>, vector<16xi1> -> vector<16xi32>
      %reduce_sum3A_347 = vector.extract %reduce_sum3A_346[15] : i32 from vector<16xi32>
      %add3A_348 = arith.addi %add3A_328, %reduce_sum3A_347 : i32
      %scan3A_349 = arith.constant 5 : i32
      %scan3A_350 = arith.addi %scan3A_249, %scan3A_349 : i32
      %mul3A_351 = arith.constant 16 : i32
      %mul3A_352 = arith.muli %scan3A_350, %mul3A_351 : i32
      %get3A_353 = arith.index_cast %mul3A_352 : i32 to index
      %get3A_354 = tpu.vector_load %arg5[%get3A_353] {strides = array<i32>} : memref<12000xi32, #tpu.memory_space<vmem>>, vector<16xi32>,
      %cumsum3A_355 = arith.constant true
      %cumsum3A_356 = vector.broadcast %cumsum3A_355 : i1 to vector<16xi1>
      %cumsum3A_357 = tpu.scan <sum>, %get3A_354 masked %cumsum3A_356 : vector<16xi32>, vector<16xi1> -> vector<16xi32>
      %add3A_358 = vector.broadcast %add3A_348 : i32 to vector<16xi32>
      %add3A_359 = arith.addi %cumsum3A_357, %add3A_358 : vector<16xi32>
      %mul3A_360 = arith.constant 16 : i32
      %mul3A_361 = arith.muli %scan3A_350, %mul3A_360 : i32
      %swap3A_362 = arith.index_cast %mul3A_361 : i32 to index
      %swap3A_363 = tpu.vector_load %arg5[%swap3A_362] {strides = array<i32>} : memref<12000xi32, #tpu.memory_space<vmem>>, vector<16xi32>,
      tpu.vector_store %arg5[%swap3A_362], %add3A_359 {strides = array<i32>} : memref<12000xi32, #tpu.memory_space<vmem>>, vector<16xi32>,
      %reduce_sum3A_364 = arith.constant true
      %reduce_sum3A_365 = vector.broadcast %reduce_sum3A_364 : i1 to vector<16xi1>
      %reduce_sum3A_366 = tpu.scan <sum>, %get3A_354 masked %reduce_sum3A_365 : vector<16xi32>, vector<16xi1> -> vector<16xi32>
      %reduce_sum3A_367 = vector.extract %reduce_sum3A_366[15] : i32 from vector<16xi32>
      %add3A_368 = arith.addi %add3A_348, %reduce_sum3A_367 : i32
      %scan3A_369 = arith.constant 6 : i32
      %scan3A_370 = arith.addi %scan3A_249, %scan3A_369 : i32
      %mul3A_371 = arith.constant 16 : i32
      %mul3A_372 = arith.muli %scan3A_370, %mul3A_371 : i32
      %get3A_373 = arith.index_cast %mul3A_372 : i32 to index
      %get3A_374 = tpu.vector_load %arg5[%get3A_373] {strides = array<i32>} : memref<12000xi32, #tpu.memory_space<vmem>>, vector<16xi32>,
      %cumsum3A_375 = arith.constant true
      %cumsum3A_376 = vector.broadcast %cumsum3A_375 : i1 to vector<16xi1>
      %cumsum3A_377 = tpu.scan <sum>, %get3A_374 masked %cumsum3A_376 : vector<16xi32>, vector<16xi1> -> vector<16xi32>
      %add3A_378 = vector.broadcast %add3A_368 : i32 to vector<16xi32>
      %add3A_379 = arith.addi %cumsum3A_377, %add3A_378 : vector<16xi32>
      %mul3A_380 = arith.constant 16 : i32
      %mul3A_381 = arith.muli %scan3A_370, %mul3A_380 : i32
      %swap3A_382 = arith.index_cast %mul3A_381 : i32 to index
      %swap3A_383 = tpu.vector_load %arg5[%swap3A_382] {strides = array<i32>} : memref<12000xi32, #tpu.memory_space<vmem>>, vector<16xi32>,
      tpu.vector_store %arg5[%swap3A_382], %add3A_379 {strides = array<i32>} : memref<12000xi32, #tpu.memory_space<vmem>>, vector<16xi32>,
      %reduce_sum3A_384 = arith.constant true
      %reduce_sum3A_385 = vector.broadcast %reduce_sum3A_384 : i1 to vector<16xi1>
      %reduce_sum3A_386 = tpu.scan <sum>, %get3A_374 masked %reduce_sum3A_385 : vector<16xi32>, vector<16xi1> -> vector<16xi32>
      %reduce_sum3A_387 = vector.extract %reduce_sum3A_386[15] : i32 from vector<16xi32>
      %add3A_388 = arith.addi %add3A_368, %reduce_sum3A_387 : i32
      %scan3A_389 = arith.constant 7 : i32
      %scan3A_390 = arith.addi %scan3A_249, %scan3A_389 : i32
      %mul3A_391 = arith.constant 16 : i32
      %mul3A_392 = arith.muli %scan3A_390, %mul3A_391 : i32
      %get3A_393 = arith.index_cast %mul3A_392 : i32 to index
      %get3A_394 = tpu.vector_load %arg5[%get3A_393] {strides = array<i32>} : memref<12000xi32, #tpu.memory_space<vmem>>, vector<16xi32>,
      %cumsum3A_395 = arith.constant true
      %cumsum3A_396 = vector.broadcast %cumsum3A_395 : i1 to vector<16xi1>
      %cumsum3A_397 = tpu.scan <sum>, %get3A_394 masked %cumsum3A_396 : vector<16xi32>, vector<16xi1> -> vector<16xi32>
      %add3A_398 = vector.broadcast %add3A_388 : i32 to vector<16xi32>
      %add3A_399 = arith.addi %cumsum3A_397, %add3A_398 : vector<16xi32>
      %mul3A_400 = arith.constant 16 : i32
      %mul3A_401 = arith.muli %scan3A_390, %mul3A_400 : i32
      %swap3A_402 = arith.index_cast %mul3A_401 : i32 to index
      %swap3A_403 = tpu.vector_load %arg5[%swap3A_402] {strides = array<i32>} : memref<12000xi32, #tpu.memory_space<vmem>>, vector<16xi32>,
      tpu.vector_store %arg5[%swap3A_402], %add3A_399 {strides = array<i32>} : memref<12000xi32, #tpu.memory_space<vmem>>, vector<16xi32>,
      %reduce_sum3A_404 = arith.constant true
      %reduce_sum3A_405 = vector.broadcast %reduce_sum3A_404 : i1 to vector<16xi1>
      %reduce_sum3A_406 = tpu.scan <sum>, %get3A_394 masked %reduce_sum3A_405 : vector<16xi32>, vector<16xi1> -> vector<16xi32>
      %reduce_sum3A_407 = vector.extract %reduce_sum3A_406[15] : i32 from vector<16xi32>
      %add3A_408 = arith.addi %add3A_388, %reduce_sum3A_407 : i32
      %scan3A_409 = arith.constant 8 : i32
      %scan3A_410 = arith.addi %scan3A_249, %scan3A_409 : i32
      %mul3A_411 = arith.constant 16 : i32
      %mul3A_412 = arith.muli %scan3A_410, %mul3A_411 : i32
      %get3A_413 = arith.index_cast %mul3A_412 : i32 to index
      %get3A_414 = tpu.vector_load %arg5[%get3A_413] {strides = array<i32>} : memref<12000xi32, #tpu.memory_space<vmem>>, vector<16xi32>,
      %cumsum3A_415 = arith.constant true
      %cumsum3A_416 = vector.broadcast %cumsum3A_415 : i1 to vector<16xi1>
      %cumsum3A_417 = tpu.scan <sum>, %get3A_414 masked %cumsum3A_416 : vector<16xi32>, vector<16xi1> -> vector<16xi32>
      %add3A_418 = vector.broadcast %add3A_408 : i32 to vector<16xi32>
      %add3A_419 = arith.addi %cumsum3A_417, %add3A_418 : vector<16xi32>
      %mul3A_420 = arith.constant 16 : i32
      %mul3A_421 = arith.muli %scan3A_410, %mul3A_420 : i32
      %swap3A_422 = arith.index_cast %mul3A_421 : i32 to index
      %swap3A_423 = tpu.vector_load %arg5[%swap3A_422] {strides = array<i32>} : memref<12000xi32, #tpu.memory_space<vmem>>, vector<16xi32>,
      tpu.vector_store %arg5[%swap3A_422], %add3A_419 {strides = array<i32>} : memref<12000xi32, #tpu.memory_space<vmem>>, vector<16xi32>,
      %reduce_sum3A_424 = arith.constant true
      %reduce_sum3A_425 = vector.broadcast %reduce_sum3A_424 : i1 to vector<16xi1>
      %reduce_sum3A_426 = tpu.scan <sum>, %get3A_414 masked %reduce_sum3A_425 : vector<16xi32>, vector<16xi1> -> vector<16xi32>
      %reduce_sum3A_427 = vector.extract %reduce_sum3A_426[15] : i32 from vector<16xi32>
      %add3A_428 = arith.addi %add3A_408, %reduce_sum3A_427 : i32
      %scan3A_429 = arith.constant 9 : i32
      %scan3A_430 = arith.addi %scan3A_249, %scan3A_429 : i32
      %mul3A_431 = arith.constant 16 : i32
      %mul3A_432 = arith.muli %scan3A_430, %mul3A_431 : i32
      %get3A_433 = arith.index_cast %mul3A_432 : i32 to index
      %get3A_434 = tpu.vector_load %arg5[%get3A_433] {strides = array<i32>} : memref<12000xi32, #tpu.memory_space<vmem>>, vector<16xi32>,
      %cumsum3A_435 = arith.constant true
      %cumsum3A_436 = vector.broadcast %cumsum3A_435 : i1 to vector<16xi1>
      %cumsum3A_437 = tpu.scan <sum>, %get3A_434 masked %cumsum3A_436 : vector<16xi32>, vector<16xi1> -> vector<16xi32>
      %add3A_438 = vector.broadcast %add3A_428 : i32 to vector<16xi32>
      %add3A_439 = arith.addi %cumsum3A_437, %add3A_438 : vector<16xi32>
      %mul3A_440 = arith.constant 16 : i32
      %mul3A_441 = arith.muli %scan3A_430, %mul3A_440 : i32
      %swap3A_442 = arith.index_cast %mul3A_441 : i32 to index
      %swap3A_443 = tpu.vector_load %arg5[%swap3A_442] {strides = array<i32>} : memref<12000xi32, #tpu.memory_space<vmem>>, vector<16xi32>,
      tpu.vector_store %arg5[%swap3A_442], %add3A_439 {strides = array<i32>} : memref<12000xi32, #tpu.memory_space<vmem>>, vector<16xi32>,
      %reduce_sum3A_444 = arith.constant true
      %reduce_sum3A_445 = vector.broadcast %reduce_sum3A_444 : i1 to vector<16xi1>
      %reduce_sum3A_446 = tpu.scan <sum>, %get3A_434 masked %reduce_sum3A_445 : vector<16xi32>, vector<16xi1> -> vector<16xi32>
      %reduce_sum3A_447 = vector.extract %reduce_sum3A_446[15] : i32 from vector<16xi32>
      %add3A_448 = arith.addi %add3A_428, %reduce_sum3A_447 : i32
      %scan3A_449 = arith.constant 10 : i32
      %scan3A_450 = arith.addi %scan3A_249, %scan3A_449 : i32
      %mul3A_451 = arith.constant 16 : i32
      %mul3A_452 = arith.muli %scan3A_450, %mul3A_451 : i32
      %get3A_453 = arith.index_cast %mul3A_452 : i32 to index
      %get3A_454 = tpu.vector_load %arg5[%get3A_453] {strides = array<i32>} : memref<12000xi32, #tpu.memory_space<vmem>>, vector<16xi32>,
      %cumsum3A_455 = arith.constant true
      %cumsum3A_456 = vector.broadcast %cumsum3A_455 : i1 to vector<16xi1>
      %cumsum3A_457 = tpu.scan <sum>, %get3A_454 masked %cumsum3A_456 : vector<16xi32>, vector<16xi1> -> vector<16xi32>
      %add3A_458 = vector.broadcast %add3A_448 : i32 to vector<16xi32>
      %add3A_459 = arith.addi %cumsum3A_457, %add3A_458 : vector<16xi32>
      %mul3A_460 = arith.constant 16 : i32
      %mul3A_461 = arith.muli %scan3A_450, %mul3A_460 : i32
      %swap3A_462 = arith.index_cast %mul3A_461 : i32 to index
      %swap3A_463 = tpu.vector_load %arg5[%swap3A_462] {strides = array<i32>} : memref<12000xi32, #tpu.memory_space<vmem>>, vector<16xi32>,
      tpu.vector_store %arg5[%swap3A_462], %add3A_459 {strides = array<i32>} : memref<12000xi32, #tpu.memory_space<vmem>>, vector<16xi32>,
      %reduce_sum3A_464 = arith.constant true
      %reduce_sum3A_465 = vector.broadcast %reduce_sum3A_464 : i1 to vector<16xi1>
      %reduce_sum3A_466 = tpu.scan <sum>, %get3A_454 masked %reduce_sum3A_465 : vector<16xi32>, vector<16xi1> -> vector<16xi32>
      %reduce_sum3A_467 = vector.extract %reduce_sum3A_466[15] : i32 from vector<16xi32>
      %add3A_468 = arith.addi %add3A_448, %reduce_sum3A_467 : i32
      %scan3A_469 = arith.constant 11 : i32
      %scan3A_470 = arith.addi %scan3A_249, %scan3A_469 : i32
      %mul3A_471 = arith.constant 16 : i32
      %mul3A_472 = arith.muli %scan3A_470, %mul3A_471 : i32
      %get3A_473 = arith.index_cast %mul3A_472 : i32 to index
      %get3A_474 = tpu.vector_load %arg5[%get3A_473] {strides = array<i32>} : memref<12000xi32, #tpu.memory_space<vmem>>, vector<16xi32>,
      %cumsum3A_475 = arith.constant true
      %cumsum3A_476 = vector.broadcast %cumsum3A_475 : i1 to vector<16xi1>
      %cumsum3A_477 = tpu.scan <sum>, %get3A_474 masked %cumsum3A_476 : vector<16xi32>, vector<16xi1> -> vector<16xi32>
      %add3A_478 = vector.broadcast %add3A_468 : i32 to vector<16xi32>
      %add3A_479 = arith.addi %cumsum3A_477, %add3A_478 : vector<16xi32>
      %mul3A_480 = arith.constant 16 : i32
      %mul3A_481 = arith.muli %scan3A_470, %mul3A_480 : i32
      %swap3A_482 = arith.index_cast %mul3A_481 : i32 to index
      %swap3A_483 = tpu.vector_load %arg5[%swap3A_482] {strides = array<i32>} : memref<12000xi32, #tpu.memory_space<vmem>>, vector<16xi32>,
      tpu.vector_store %arg5[%swap3A_482], %add3A_479 {strides = array<i32>} : memref<12000xi32, #tpu.memory_space<vmem>>, vector<16xi32>,
      %reduce_sum3A_484 = arith.constant true
      %reduce_sum3A_485 = vector.broadcast %reduce_sum3A_484 : i1 to vector<16xi1>
      %reduce_sum3A_486 = tpu.scan <sum>, %get3A_474 masked %reduce_sum3A_485 : vector<16xi32>, vector<16xi1> -> vector<16xi32>
      %reduce_sum3A_487 = vector.extract %reduce_sum3A_486[15] : i32 from vector<16xi32>
      %add3A_488 = arith.addi %add3A_468, %reduce_sum3A_487 : i32
      scf.yield %add3A_488 : i32
    }
    %scan3A_124 = arith.constant 744 : i32
    %scan3A_125 = arith.addi %scan3A_119, %scan3A_124 : i32
    %mul3A_126 = arith.constant 16 : i32
    %mul3A_127 = arith.muli %scan3A_125, %mul3A_126 : i32
    %get3A = arith.index_cast %mul3A_127 : i32 to index
    %get3A_128 = tpu.vector_load %arg5[%get3A] {strides = array<i32>} : memref<12000xi32, #tpu.memory_space<vmem>>, vector<16xi32>,
    %cumsum3A = arith.constant true
    %cumsum3A_129 = vector.broadcast %cumsum3A : i1 to vector<16xi1>
    %cumsum3A_130 = tpu.scan <sum>, %get3A_128 masked %cumsum3A_129 : vector<16xi32>, vector<16xi1> -> vector<16xi32>
    %add3A_131 = vector.broadcast %scan3A_123 : i32 to vector<16xi32>
    %add3A_132 = arith.addi %cumsum3A_130, %add3A_131 : vector<16xi32>
    %mul3A_133 = arith.constant 16 : i32
    %mul3A_134 = arith.muli %scan3A_125, %mul3A_133 : i32
    %swap3A_135 = arith.index_cast %mul3A_134 : i32 to index
    %swap3A_136 = tpu.vector_load %arg5[%swap3A_135] {strides = array<i32>} : memref<12000xi32, #tpu.memory_space<vmem>>, vector<16xi32>,
    tpu.vector_store %arg5[%swap3A_135], %add3A_132 {strides = array<i32>} : memref<12000xi32, #tpu.memory_space<vmem>>, vector<16xi32>,
    %reduce_sum3A_137 = arith.constant true
    %reduce_sum3A_138 = vector.broadcast %reduce_sum3A_137 : i1 to vector<16xi1>
    %reduce_sum3A_139 = tpu.scan <sum>, %get3A_128 masked %reduce_sum3A_138 : vector<16xi32>, vector<16xi1> -> vector<16xi32>
    %reduce_sum3A_140 = vector.extract %reduce_sum3A_139[15] : i32 from vector<16xi32>
    %add3A_141 = arith.addi %scan3A_123, %reduce_sum3A_140 : i32
    %scan3A_142 = arith.constant 745 : i32
    %scan3A_143 = arith.addi %scan3A_119, %scan3A_142 : i32
    %mul3A_144 = arith.constant 16 : i32
    %mul3A_145 = arith.muli %scan3A_143, %mul3A_144 : i32
    %get3A_146 = arith.index_cast %mul3A_145 : i32 to index
    %get3A_147 = tpu.vector_load %arg5[%get3A_146] {strides = array<i32>} : memref<12000xi32, #tpu.memory_space<vmem>>, vector<16xi32>,
    %cumsum3A_148 = arith.constant true
    %cumsum3A_149 = vector.broadcast %cumsum3A_148 : i1 to vector<16xi1>
    %cumsum3A_150 = tpu.scan <sum>, %get3A_147 masked %cumsum3A_149 : vector<16xi32>, vector<16xi1> -> vector<16xi32>
    %add3A_151 = vector.broadcast %add3A_141 : i32 to vector<16xi32>
    %add3A_152 = arith.addi %cumsum3A_150, %add3A_151 : vector<16xi32>
    %mul3A_153 = arith.constant 16 : i32
    %mul3A_154 = arith.muli %scan3A_143, %mul3A_153 : i32
    %swap3A_155 = arith.index_cast %mul3A_154 : i32 to index
    %swap3A_156 = tpu.vector_load %arg5[%swap3A_155] {strides = array<i32>} : memref<12000xi32, #tpu.memory_space<vmem>>, vector<16xi32>,
    tpu.vector_store %arg5[%swap3A_155], %add3A_152 {strides = array<i32>} : memref<12000xi32, #tpu.memory_space<vmem>>, vector<16xi32>,
    %reduce_sum3A_157 = arith.constant true
    %reduce_sum3A_158 = vector.broadcast %reduce_sum3A_157 : i1 to vector<16xi1>
    %reduce_sum3A_159 = tpu.scan <sum>, %get3A_147 masked %reduce_sum3A_158 : vector<16xi32>, vector<16xi1> -> vector<16xi32>
    %reduce_sum3A_160 = vector.extract %reduce_sum3A_159[15] : i32 from vector<16xi32>
    %add3A_161 = arith.addi %add3A_141, %reduce_sum3A_160 : i32
    %scan3A_162 = arith.constant 746 : i32
    %scan3A_163 = arith.addi %scan3A_119, %scan3A_162 : i32
    %mul3A_164 = arith.constant 16 : i32
    %mul3A_165 = arith.muli %scan3A_163, %mul3A_164 : i32
    %get3A_166 = arith.index_cast %mul3A_165 : i32 to index
    %get3A_167 = tpu.vector_load %arg5[%get3A_166] {strides = array<i32>} : memref<12000xi32, #tpu.memory_space<vmem>>, vector<16xi32>,
    %cumsum3A_168 = arith.constant true
    %cumsum3A_169 = vector.broadcast %cumsum3A_168 : i1 to vector<16xi1>
    %cumsum3A_170 = tpu.scan <sum>, %get3A_167 masked %cumsum3A_169 : vector<16xi32>, vector<16xi1> -> vector<16xi32>
    %add3A_171 = vector.broadcast %add3A_161 : i32 to vector<16xi32>
    %add3A_172 = arith.addi %cumsum3A_170, %add3A_171 : vector<16xi32>
    %mul3A_173 = arith.constant 16 : i32
    %mul3A_174 = arith.muli %scan3A_163, %mul3A_173 : i32
    %swap3A_175 = arith.index_cast %mul3A_174 : i32 to index
    %swap3A_176 = tpu.vector_load %arg5[%swap3A_175] {strides = array<i32>} : memref<12000xi32, #tpu.memory_space<vmem>>, vector<16xi32>,
    tpu.vector_store %arg5[%swap3A_175], %add3A_172 {strides = array<i32>} : memref<12000xi32, #tpu.memory_space<vmem>>, vector<16xi32>,
    %reduce_sum3A_177 = arith.constant true
    %reduce_sum3A_178 = vector.broadcast %reduce_sum3A_177 : i1 to vector<16xi1>
    %reduce_sum3A_179 = tpu.scan <sum>, %get3A_167 masked %reduce_sum3A_178 : vector<16xi32>, vector<16xi1> -> vector<16xi32>
    %reduce_sum3A_180 = vector.extract %reduce_sum3A_179[15] : i32 from vector<16xi32>
    %add3A_181 = arith.addi %add3A_161, %reduce_sum3A_180 : i32
    %scan3A_182 = arith.constant 747 : i32
    %scan3A_183 = arith.addi %scan3A_119, %scan3A_182 : i32
    %mul3A_184 = arith.constant 16 : i32
    %mul3A_185 = arith.muli %scan3A_183, %mul3A_184 : i32
    %get3A_186 = arith.index_cast %mul3A_185 : i32 to index
    %get3A_187 = tpu.vector_load %arg5[%get3A_186] {strides = array<i32>} : memref<12000xi32, #tpu.memory_space<vmem>>, vector<16xi32>,
    %cumsum3A_188 = arith.constant true
    %cumsum3A_189 = vector.broadcast %cumsum3A_188 : i1 to vector<16xi1>
    %cumsum3A_190 = tpu.scan <sum>, %get3A_187 masked %cumsum3A_189 : vector<16xi32>, vector<16xi1> -> vector<16xi32>
    %add3A_191 = vector.broadcast %add3A_181 : i32 to vector<16xi32>
    %add3A_192 = arith.addi %cumsum3A_190, %add3A_191 : vector<16xi32>
    %mul3A_193 = arith.constant 16 : i32
    %mul3A_194 = arith.muli %scan3A_183, %mul3A_193 : i32
    %swap3A_195 = arith.index_cast %mul3A_194 : i32 to index
    %swap3A_196 = tpu.vector_load %arg5[%swap3A_195] {strides = array<i32>} : memref<12000xi32, #tpu.memory_space<vmem>>, vector<16xi32>,
    tpu.vector_store %arg5[%swap3A_195], %add3A_192 {strides = array<i32>} : memref<12000xi32, #tpu.memory_space<vmem>>, vector<16xi32>,
    %reduce_sum3A_197 = arith.constant true
    %reduce_sum3A_198 = vector.broadcast %reduce_sum3A_197 : i1 to vector<16xi1>
    %reduce_sum3A_199 = tpu.scan <sum>, %get3A_187 masked %reduce_sum3A_198 : vector<16xi32>, vector<16xi1> -> vector<16xi32>
    %reduce_sum3A_200 = vector.extract %reduce_sum3A_199[15] : i32 from vector<16xi32>
    %add3A_201 = arith.addi %add3A_181, %reduce_sum3A_200 : i32
    %scan3A_202 = arith.constant 748 : i32
    %scan3A_203 = arith.addi %scan3A_119, %scan3A_202 : i32
    %mul3A_204 = arith.constant 16 : i32
    %mul3A_205 = arith.muli %scan3A_203, %mul3A_204 : i32
    %get3A_206 = arith.index_cast %mul3A_205 : i32 to index
    %get3A_207 = tpu.vector_load %arg5[%get3A_206] {strides = array<i32>} : memref<12000xi32, #tpu.memory_space<vmem>>, vector<16xi32>,
    %cumsum3A_208 = arith.constant true
    %cumsum3A_209 = vector.broadcast %cumsum3A_208 : i1 to vector<16xi1>
    %cumsum3A_210 = tpu.scan <sum>, %get3A_207 masked %cumsum3A_209 : vector<16xi32>, vector<16xi1> -> vector<16xi32>
    %add3A_211 = vector.broadcast %add3A_201 : i32 to vector<16xi32>
    %add3A_212 = arith.addi %cumsum3A_210, %add3A_211 : vector<16xi32>
    %mul3A_213 = arith.constant 16 : i32
    %mul3A_214 = arith.muli %scan3A_203, %mul3A_213 : i32
    %swap3A_215 = arith.index_cast %mul3A_214 : i32 to index
    %swap3A_216 = tpu.vector_load %arg5[%swap3A_215] {strides = array<i32>} : memref<12000xi32, #tpu.memory_space<vmem>>, vector<16xi32>,
    tpu.vector_store %arg5[%swap3A_215], %add3A_212 {strides = array<i32>} : memref<12000xi32, #tpu.memory_space<vmem>>, vector<16xi32>,
    %reduce_sum3A_217 = arith.constant true
    %reduce_sum3A_218 = vector.broadcast %reduce_sum3A_217 : i1 to vector<16xi1>
    %reduce_sum3A_219 = tpu.scan <sum>, %get3A_207 masked %reduce_sum3A_218 : vector<16xi32>, vector<16xi1> -> vector<16xi32>
    %reduce_sum3A_220 = vector.extract %reduce_sum3A_219[15] : i32 from vector<16xi32>
    %add3A_221 = arith.addi %add3A_201, %reduce_sum3A_220 : i32
    %scan3A_222 = arith.constant 749 : i32
    %scan3A_223 = arith.addi %scan3A_119, %scan3A_222 : i32
    %mul3A_224 = arith.constant 16 : i32
    %mul3A_225 = arith.muli %scan3A_223, %mul3A_224 : i32
    %get3A_226 = arith.index_cast %mul3A_225 : i32 to index
    %get3A_227 = tpu.vector_load %arg5[%get3A_226] {strides = array<i32>} : memref<12000xi32, #tpu.memory_space<vmem>>, vector<16xi32>,
    %cumsum3A_228 = arith.constant true
    %cumsum3A_229 = vector.broadcast %cumsum3A_228 : i1 to vector<16xi1>
    %cumsum3A_230 = tpu.scan <sum>, %get3A_227 masked %cumsum3A_229 : vector<16xi32>, vector<16xi1> -> vector<16xi32>
    %add3A_231 = vector.broadcast %add3A_221 : i32 to vector<16xi32>
    %add3A_232 = arith.addi %cumsum3A_230, %add3A_231 : vector<16xi32>
    %mul3A_233 = arith.constant 16 : i32
    %mul3A_234 = arith.muli %scan3A_223, %mul3A_233 : i32
    %swap3A_235 = arith.index_cast %mul3A_234 : i32 to index
    %swap3A_236 = tpu.vector_load %arg5[%swap3A_235] {strides = array<i32>} : memref<12000xi32, #tpu.memory_space<vmem>>, vector<16xi32>,
    tpu.vector_store %arg5[%swap3A_235], %add3A_232 {strides = array<i32>} : memref<12000xi32, #tpu.memory_space<vmem>>, vector<16xi32>,
    %reduce_sum3A_237 = arith.constant true
    %reduce_sum3A_238 = vector.broadcast %reduce_sum3A_237 : i1 to vector<16xi1>
    %reduce_sum3A_239 = tpu.scan <sum>, %get3A_227 masked %reduce_sum3A_238 : vector<16xi32>, vector<16xi1> -> vector<16xi32>
    %reduce_sum3A_240 = vector.extract %reduce_sum3A_239[15] : i32 from vector<16xi32>
    %add3A_241 = arith.addi %add3A_221, %reduce_sum3A_240 : i32
    %scan3A_242 = arith.constant 750 : i32
    %lt3A = arith.constant 31 : i32
    %lt3A_243 = arith.cmpi slt, %add3A, %lt3A : i32
    %convert_element_type3A = arith.extui %lt3A_243 : i1 to i32
    %cond3A = arith.constant 0 : i32
    %cond3A_244 = arith.cmpi ne, %convert_element_type3A, %cond3A : i32
    scf.if %cond3A_244 {
      "tpu.region"() ({
        %run_scoped3A = tpu.sem_alloc : memref<!tpu.dma_semaphore, #tpu.memory_space<semaphore_mem>>
        %dma_start3A = tpu.memref_slice %arg3[%mul3A_2] : memref<383767xi32, #tpu.memory_space<hbm>> -> memref<12000xi32, #tpu.memory_space<hbm>>
        %dma_start3A_249 = tpu.memref_slice %arg3[%mul3A_2] : memref<383767xi32, #tpu.memory_space<hbm>> -> memref<12000xi32, #tpu.memory_space<hbm>>
        tpu.enqueue_dma source(%arg5 : memref<12000xi32, #tpu.memory_space<vmem>>) target(%dma_start3A_249 : memref<12000xi32, #tpu.memory_space<hbm>>) target_semaphore(%run_scoped3A : memref<!tpu.dma_semaphore, #tpu.memory_space<semaphore_mem>>)
        %dma_wait3A = tpu.memref_slice %arg3[%mul3A_2] : memref<383767xi32, #tpu.memory_space<hbm>> -> memref<12000xi32, #tpu.memory_space<hbm>>
        %dma_wait3A_250 = tpu.memref_slice %arg3[%mul3A_2] : memref<383767xi32, #tpu.memory_space<hbm>> -> memref<12000xi32, #tpu.memory_space<hbm>>
        tpu.wait_dma2 semaphore(%run_scoped3A : memref<!tpu.dma_semaphore, #tpu.memory_space<semaphore_mem>>) src(%arg5 : memref<12000xi32, #tpu.memory_space<vmem>>) dst(%dma_wait3A_250 : memref<12000xi32, #tpu.memory_space<hbm>>)
        tpu.yield
      }) : () -> ()
    } else {
    }
    %eq3A = arith.constant 31 : i32
    %eq3A_245 = arith.cmpi eq, %add3A, %eq3A : i32
    %convert_element_type3A_246 = arith.extui %eq3A_245 : i1 to i32
    %cond3A_247 = arith.constant 0 : i32
    %cond3A_248 = arith.cmpi ne, %convert_element_type3A_246, %cond3A_247 : i32
    scf.if %cond3A_248 {
      "tpu.region"() ({
        %run_scoped3A = tpu.sem_alloc : memref<!tpu.dma_semaphore, #tpu.memory_space<semaphore_mem>>
        %dma_start3A = arith.constant 0 : i32
        %dma_start3A_249 = tpu.memref_slice %arg5[%dma_start3A] : memref<12000xi32, #tpu.memory_space<vmem>> -> memref<11767xi32, #tpu.memory_space<vmem>>
        %dma_start3A_250 = tpu.memref_slice %arg3[%mul3A_2] : memref<383767xi32, #tpu.memory_space<hbm>> -> memref<11767xi32, #tpu.memory_space<hbm>>
        %dma_start3A_251 = tpu.memref_slice %arg3[%mul3A_2] : memref<383767xi32, #tpu.memory_space<hbm>> -> memref<11767xi32, #tpu.memory_space<hbm>>
        %dma_start3A_252 = arith.constant 0 : i32
        %dma_start3A_253 = tpu.memref_slice %arg5[%dma_start3A_252] : memref<12000xi32, #tpu.memory_space<vmem>> -> memref<11767xi32, #tpu.memory_space<vmem>>
        tpu.enqueue_dma source(%dma_start3A_253 : memref<11767xi32, #tpu.memory_space<vmem>>) target(%dma_start3A_251 : memref<11767xi32, #tpu.memory_space<hbm>>) target_semaphore(%run_scoped3A : memref<!tpu.dma_semaphore, #tpu.memory_space<semaphore_mem>>)
        %dma_wait3A = arith.constant 0 : i32
        %dma_wait3A_254 = tpu.memref_slice %arg5[%dma_wait3A] : memref<12000xi32, #tpu.memory_space<vmem>> -> memref<11767xi32, #tpu.memory_space<vmem>>
        %dma_wait3A_255 = tpu.memref_slice %arg3[%mul3A_2] : memref<383767xi32, #tpu.memory_space<hbm>> -> memref<11767xi32, #tpu.memory_space<hbm>>
        %dma_wait3A_256 = tpu.memref_slice %arg3[%mul3A_2] : memref<383767xi32, #tpu.memory_space<hbm>> -> memref<11767xi32, #tpu.memory_space<hbm>>
        %dma_wait3A_257 = arith.constant 0 : i32
        %dma_wait3A_258 = tpu.memref_slice %arg5[%dma_wait3A_257] : memref<12000xi32, #tpu.memory_space<vmem>> -> memref<11767xi32, #tpu.memory_space<vmem>>
        tpu.wait_dma2 semaphore(%run_scoped3A : memref<!tpu.dma_semaphore, #tpu.memory_space<semaphore_mem>>) src(%dma_wait3A_258 : memref<11767xi32, #tpu.memory_space<vmem>>) dst(%dma_wait3A_256 : memref<11767xi32, #tpu.memory_space<hbm>>)
        tpu.yield
      }) : () -> ()
    } else {
    }
    return
  }
}

</mosaic_0001>

<sc_bundles>
// kernel: kernel.3.cloned.1.call-start
scs
__scs_entry_jumppad:
0x0: {  	(pc) =	sbr.rel $0x88, $3  }
0x1: {  	(tag) =	ssettag $0x0;
	lr =	simm.s32 $0x1  }
0x2: {  	[smem:$0x3F9D] =	sst lr;
	_ =	strace $0xD0000000  }
0x3: {  	_ = 	snop  }
0x4: {  	_ = 	snop  }
0x5: {  	_ = 	snop  }
0x6: {  	_ = 	snop  }
0x7: {  	_ = 	snop  }
__scs_overlays_trampoline_lowered:
0x8: {  	[smem:$0x3FAC] =	sst s0  }
0x9: {  	[smem:$0x3FAD] =	sst s1  }
0xa: {  	[smem:$0x3FAE] =	sst s2  }
0xb: {  	[smem:$0x3FAF] =	sst s3  }
0xc: {  	[smem:$0x3FB0] =	sst s4  }
0xd: {  	[smem:$0x3FB1] =	sst s5  }
0xe: {  	[smem:$0x3FB2] =	sst s6  }
0xf: {  	[smem:$0x3FB3] =	sst s7  }
0x10: {  	[smem:$0x3FB4] =	sst s8  }
0x11: {  	[smem:$0x3FB5] =	sst s9;
	s0 =	simm.s32 @!p0 $0x0  }
0x12: {  	s1 =	sld [smem:$0x3F9B];
	s0 =	simm.s32 @p0 $0x1  }
0x13: {  	[smem:$0x3FB6] =	sst s0;
	s0 =	simm.s32 @!p1 $0x0  }
0x14: {  	s2 =	sld [smem:$0x3F9A];
	s0 =	simm.s32 @p1 $0x1  }
0x15: {  	[smem:$0x3FB7] =	sst s0;
	s0 =	simm.s32 @!p2 $0x0  }
0x16: {  	s3 =	sld [smem:$0x3FDB];
	s0 =	simm.s32 @p2 $0x1  }
0x17: {  	s4 =	simm.s32 $0x1BF5;
	[smem:$0x3FB9] =	sst s0  }
0x18: {  	s0 =	sld [smem:$0x3F9C];
	_ =	swait.ge [sflag:s4], $0x0  }
0x19: {  	s7 =	sld [smem:$0x3F9D]  }
0x1a: {  	s8 =	sadd.s32 $0xFFFFE003, lr  }
0x1b: {  	s9 =	sadd.s32 $0xFFFFFEF7, lr;
	s5 =	simm.s32 $0xFFFFFFFF;
	p2 =	slt.u32 s8, $0xFFFFF086  }
0x1c: {  	p1 =	slt.u32 s9, $0xF7A;
	s5 =	simm.s32 @!p2 $0x0  }
0x1d: {  	s5 =	simm.s32 @p1 $0x1;
	p0 =	seq.s32 s7, s2  }
0x1e: {  	s7 =	smul.u32 @!p0 $0xF7A, s2;
	p2 =	seq.s32 @!p0 s5, $0x0  }
0x1f: {  	s9 =	smul.u32 $0xF7A, s1;
	s8 =	simm.s32 @!p0 $0x1BF5;
	p2 =	por !p2, p0  }
0x20: {  	[sflag:s8] =	ssyncset.s32 @!p0 $0xFFFFF086;
	s6 =	sadd.s32 @!p0 s3, s7;
	s7 =	simm.s32 @!p0 $0x108  }
0x21: {  	s3 =	sadd.s32 s3, s9;
	s6 =	sadd.s32 @!p0 $0x88, s6;
	s7 =	simm.s32 @p2 $0x1082  }
0x22: {  	[simem:s7], [sflag:s8] =	dma.local @!p0 [hbm:s6], $0xF7A  }
0x23: {  	s9 =	sor.u32 $0xD0000000, s2;
	s6 =	simm.s32 $0x108;
	_ =	swait.ge @!p0 [sflag:s8], $0x0  }
0x24: {  	s3 =	sadd.s32 $0x88, s3;
	s6 =	simm.s32 @!p1 $0x1082;
	[sflag:s4] =	ssyncset.s32 $0xFFFFF086  }
0x25: {  	[simem:s6], [sflag:s4] =	dma.local [hbm:s3], $0xF7A  }
0x26: {  	[smem:$0x3F9D] =	sst s1;
	(tag) =	ssettag s2;
	_ =	strace s9  }
0x27: {  	s1 =	sld [smem:$0x3FAD]  }
0x28: {  	s2 =	sld [smem:$0x3FAE]  }
0x29: {  	s4 =	sld [smem:$0x3FB0]  }
0x2a: {  	p0 =	seq.s32 s5, $0x0;
	s5 =	sld [smem:$0x3FB1]  }
0x2b: {  	s6 =	sld [smem:$0x3FB2]  }
0x2c: {  	s7 =	sld [smem:$0x3FB3]  }
0x2d: {  	s3 =	simm.s32 $0x108;
	s8 =	sld [smem:$0x3FB4]  }
0x2e: {  	s3 =	simm.s32 @!p0 $0x1082;
	s9 =	sld [smem:$0x3FB5]  }
0x2f: {  	lr =	sadd.s32 s0, s3;
	s0 =	sld [smem:$0x3FAC]  }
0x30: {  	s3 =	sld [smem:$0x3FAF]  }
0x31: {  	[smem:$0x3FB8] =	sst s10  }
0x32: {  	s10 =	sld [smem:$0x3FB6];
	_ =	sdelay $0x3  }
0x33: {  	p0 =	seq.s32 s10, $0x1;
	s10 =	sld [smem:$0x3FB8];
	_ =	sdelay $0x3  }
0x34: {  	[smem:$0x3FB8] =	sst s10  }
0x35: {  	s10 =	sld [smem:$0x3FB7];
	_ =	sdelay $0x3  }
0x36: {  	p1 =	seq.s32 s10, $0x1;
	s10 =	sld [smem:$0x3FB8];
	_ =	sdelay $0x3  }
0x37: {  	[smem:$0x3FB8] =	sst s10  }
0x38: {  	s10 =	sld [smem:$0x3FB9]  }
0x39: {  	_ = 	snop;
	(pc) =	sbr.ind lr, $3  }
0x3a: {  	_ = 	snop  }
0x3b: {  	_ = 	snop  }
0x3c: {  	p2 =	seq.s32 s10, $0x1;
	s10 =	sld [smem:$0x3FB8]  }
0x3d: {  	_ =	shalt  }
0x3e: {  	_ =	shalt  }
0x3f: {  	_ =	shalt  }
0x40: {  	_ =	shalt  }
0x41: {  	_ =	shalt  }
0x42: {  	_ =	shalt  }
0x43: {  	_ =	shalt  }
0x44: {  	_ =	shalt  }
0x45: {  	_ =	shalt  }
0x46: {  	_ =	shalt  }
0x47: {  	_ =	shalt  }
0x48: {  	_ =	shalt  }
0x49: {  	_ =	shalt  }
0x4a: {  	_ =	shalt  }
0x4b: {  	_ =	shalt  }
0x4c: {  	_ =	shalt  }
0x4d: {  	_ =	shalt  }
0x4e: {  	_ =	shalt  }
0x4f: {  	_ =	shalt  }
0x50: {  	_ =	shalt  }
0x51: {  	_ =	shalt  }
0x52: {  	_ =	shalt  }
0x53: {  	_ =	shalt  }
0x54: {  	_ =	shalt  }
0x55: {  	_ =	shalt  }
0x56: {  	_ =	shalt  }
0x57: {  	_ =	shalt  }
0x58: {  	_ =	shalt  }
0x59: {  	_ =	shalt  }
0x5a: {  	_ =	shalt  }
0x5b: {  	_ =	shalt  }
0x5c: {  	_ =	shalt  }
0x5d: {  	_ =	shalt  }
0x5e: {  	_ =	shalt  }
0x5f: {  	_ =	shalt  }
0x60: {  	_ =	shalt  }
0x61: {  	_ =	shalt  }
0x62: {  	_ =	shalt  }
0x63: {  	_ =	shalt  }
0x64: {  	_ =	shalt  }
0x65: {  	_ =	shalt  }
0x66: {  	_ =	shalt  }
0x67: {  	_ =	shalt  }
0x68: {  	_ =	shalt  }
0x69: {  	_ =	shalt  }
0x6a: {  	_ =	shalt  }
0x6b: {  	_ =	shalt  }
0x6c: {  	_ =	shalt  }
0x6d: {  	_ =	shalt  }
0x6e: {  	_ =	shalt  }
0x6f: {  	_ =	shalt  }
0x70: {  	_ =	shalt  }
0x71: {  	_ =	shalt  }
0x72: {  	_ =	shalt  }
0x73: {  	_ =	shalt  }
0x74: {  	_ =	shalt  }
0x75: {  	_ =	shalt  }
0x76: {  	_ =	shalt  }
0x77: {  	_ =	shalt  }
0x78: {  	_ =	shalt  }
0x79: {  	_ =	shalt  }
0x7a: {  	_ =	shalt  }
0x7b: {  	_ =	shalt  }
0x7c: {  	_ =	shalt  }
0x7d: {  	_ =	shalt  }
0x7e: {  	_ =	shalt  }
0x7f: {  	_ =	shalt  }
0x80: {  	_ =	shalt  }
0x81: {  	_ =	shalt  }
0x82: {  	_ =	shalt  }
0x83: {  	_ =	shalt  }
0x84: {  	_ =	shalt  }
0x85: {  	_ =	shalt  }
0x86: {  	_ =	shalt  }
0x87: {  	_ =	shalt  }
.Lfunc_end0:
.L_simem_size_0:
called_computation_lowered:
.L_overlay_start_0:
0x88: {  	s2 =	sld [smem:$0x3FD9]  }
0x89: {  	s3 =	sld [smem:$0x3FFE];
	_ =	sdelay $0x1  }
0x8a: {  	s1 =	srdreg.scid  }
0x8b: {  	s0 =	sand.u32 $0x1, s1  }
0x8c: {  	s15 =	sshll.u32 s0, $0xA;
	s2 =	sadd.s32 s3, s2  }
0x8d: {  	s2 =	sadd.s32 s2, s15  }
0x8e: {  	[smem:$0x3FC4] =	sst s2  }
0x8f: {  	_ = 	snop  }
0x90: {  	s2 =	sld [smem:$0x3FD0];
	_ =	sdelay $0x2  }
0x91: {  	s4 =	simm.s32 $0xA;
	s5 =	simm.s32 $0x10;
	s16 =	sld [smem:$0x3FC6]  }
0x92: {  	[smem:s5], [sflag:s4] =	dma.local [hbm:s2], $0x1  }
0x93: {  	_ =	swait.eq [sflag:s4], $0x1  }
0x94: {  	[sflag:s4] =	ssyncset.done $0x0  }
0x95: {  	[sflag:s4] =	ssyncadd.s32 $0xFFFFFFFF  }
0x96: {  	s17 =	sld [smem:$0x12];
	(tm) =	ssettm $0x1  }
0x97: {  	s18 =	sld [smem:$0x3FFB];
	_ =	sdelay $0x3  }
0x98: {  	_ =	strace s18  }
0x99: {  	s4 =	sld [smem:$0x3FFC];
	_ =	sdelay $0x3  }
0x9a: {  	_ =	strace s4  }
0x9b: {  	s4 =	sld [smem:$0x3FFD];
	_ =	sdelay $0x3  }
0x9c: {  	_ =	strace s4  }
0x9d: {  	_ =	strace $0x8FFFFFFF  }
0x9e: {  	s19 =	sld [smem:$0x3FDB];
	_ =	sdelay $0x1  }
0x9f: {  	s20 =	simm.s32 $_scs_section_size  }
0xa0: {  	s6 =	simm.s32 $_size__tile_overlayer_lowered;
	s7 =	simm.s32 $_tile_overlayer_lowered  }
0xa1: {  	s23 =	simm.s32 $0x1BFF;
	s22 =	sshll.u32 s7, $0x1;
	s4 =	sadd.s32 s20, s19  }
0xa2: {  	s8 =	simm.s32 $0x0;
	s21 =	sshll.u32 s6, $0x1;
	s6 =	sadd.s32 s22, s4  }
0xa3: {  	[timem:s8], [sflag:s23] =	dma.local [hbm:s6], s21  }
0xa4: {  	_ =	swait.ge [sflag:s23], s21  }
0xa5: {  	s5 =	ssub.s32 $0x0, s21;
	[sflag:s23] =	ssyncset.done $0x0  }
0xa6: {  	[sflag:s23] =	ssyncadd.s32 s5;
	_ =	sdelay $0x1  }
0xa7: {  	s24 =	simm.s32 $0x1B8B  }
0xa8: {  	_ =	swait.ge [sflag:s24], $0x1  }
0xa9: {  	[sflag:s24] =	ssyncset.done $0x0  }
0xaa: {  	s25 =	simm.s32 $0x1B8E;
	[sflag:s24] =	ssyncadd.s32 $0xFFFFFFFF  }
0xab: {  	s26 =	simm.s32 $execute0_lowered;
	[smem:$0x3FD2] =	sst s25  }
0xac: {  	s5 =	sshll.u32 s26, $0x1;
	_ =	strace $0x80000046;
	[dreg:$0x1] =	wrdreg $0xFFFFFFFF  }
0xad: {  	s28 =	simm.s32 $_size_execute0_lowered;
	s4 =	sadd.s32 s4, s5;
	[dreg:$0x0] =	wrdreg $0x0  }
0xae: {  	s5 =	sshll.u32 s28, $0x1;
	[dreg:$0x2] =	wrdreg s4  }
0xaf: {  	[dreg:$0x3] =	wrdreg s5  }
0xb0: {  	[dreg:$0x4] =	wrdreg $0xC0  }
0xb1: {  	_ =	task [dreg:s8], $0x5FFFF  }
0xb2: {  	[dreg:$0x1] =	wrdreg $0xFFFFFFFF  }
0xb3: {  	[dreg:$0x0] =	wrdreg $0x60  }
0xb4: {  	[dreg:$0x2] =	wrdreg s16  }
0xb5: {  	[dreg:$0x3] =	wrdreg s17  }
0xb6: {  	[dreg:$0x4] =	wrdreg $0x9  }
0xb7: {  	_ =	task.clear_ibuf [dreg:s8], $0x5FFFF;
	_ =	strace $0x90000046  }
0xb8: {  	s29 =	simm.s32 $0x9;
	_ =	strace $0x80000048  }
0xb9: {  	_ =	swait.ge [sflag:s29], $0x1  }
0xba: {  	[sflag:s29] =	ssyncadd.s32 $0xFFFFFFFF  }
0xbb: {  	_ =	strace $0x90000048  }
0xbc: {  	_ =	sfence  }
0xbd: {  	s30 =	sld [smem:$0x0];
	_ =	sdelay $0x2  }
0xbe: {  	s31 =	sshll.u32 s1, $0xD;
	s1 =	sshrl.u32 s1, $0x2  }
0xbf: {  	s3 =	sand.u32 $0x4000, s31;
	s1 =	sadd.s32 s1, s30  }
0xc0: {  	s0 =	sor.u32 s3, s0;
	s1 =	sshll.u32 s1, $0x11  }
0xc1: {  	s0 =	sor.u32 s1, s0  }
0xc2: {  	s0 =	sadd.s32 $0x8F2B, s0  }
0xc3: {  	[sflag:s0] =	ssyncadd.remote.s32 $0x1  }
0xc4: {  	_ =	sfence.sel $0xFFFF  }
0xc5: {  	[dreg:$0x0] =	wrdreg $0xFFFFFFFF;
	(pc) =	sbr.abs _section_cstart, $3  }
0xc6: {  	[dreg:$0x1] =	wrdreg $0xFFFFFFFF  }
0xc7: {  	_ =	task.clear_ibuf [dreg:s8], $0x2FFFF;
	_ =	strace $0x9FFFFFFF  }
0xc8: {  	(tm) =	ssettm $0x7FFFFFFF  }
0xc9: {  	_ =	shalt  }
tec
execute0_lowered:
.L_overlay_start_1:
0x0: {  	(tag) =	ssettag $0x1  }
0x1: {  	s1 =	srdreg.scid;
	s2 =	rddreg [dreg:$0x0]  }
0x2: {  	s0 =	stileid.u32;
	s5 =	rddreg [dreg:$0x1];
	s3 =	simm.s32 $0x0  }
0x3: {  	s4 =	sand.u32 $0x1, s1;
	s31 =	sshll.u32 s0, $0x1;
	s1 =	rddreg [dreg:$0x2]  }
0x4: {  	[smem:$0x7FF] =	sst s3;
	s9 =	sor.u32 s4, s31;
	s4 =	ssub.s32 $0x2, s4  }
0x5: {  	v0 =	vlaneseq.u32;
	_ =	strace $0x80000047;
	s6 =	smul.u32 $0x2EE0, s9;
	s7 =	sshrl.u32 s4, $0x1  }
0x6: {  	v2 =	vmul.u32 $0xFFFFFFFF, v0;
	p0 =	seq.s32 s9, $0x1F;
	s9 =	simm.s32 $0x0;
	s7 =	ssub.s32 s4, s7  }
0x7: {  	s8 =	sshrl.u32 s6, $0x3;
	v0 =	vmov s6;
	s6 =	smax.u32 s7, $0x1;
	s7 =	simm.s32 $0x1  }
0x8: {  	v1 =	vimm.s32 $0x0;
	v3 =	vimm.s32 $0x1;
	v2 =	vadd.s32 $0xFFF, v2;
	s4 =	sadd.s32 s5, s8;
	s5 =	sadd.s32 $0xB5A4, s5;
	s8 =	simm.s32 $0x1000  }
.LBB2_1:
0x9: {  	[tilespmem:s3], [sflag:$0x1] =	stream.linear.gather [hbm4b:s2+s3], $0x1000, $0x38;
	[tilespmem:$0x3EE0] =	vst v63  }
0xa: {  	s10 =	simm.s32 $0x1080  }
0xb: {  	[tilespmem:s10+$0xFFFFFF80] =	vst v1  }
0xc: {  	[tilespmem:s10+$0x70] =	vst v1  }
0xd: {  	[tilespmem:s10+$0x60] =	vst v1  }
0xe: {  	[tilespmem:s10+$0x50] =	vst v1  }
0xf: {  	[tilespmem:s10+$0x40] =	vst v1  }
0x10: {  	[tilespmem:s10+$0x30] =	vst v1  }
0x11: {  	[tilespmem:s10+$0x20] =	vst v1  }
0x12: {  	[tilespmem:s10+$0x10] =	vst v1  }
0x13: {  	[tilespmem:s10+$0x0] =	vst v1  }
0x14: {  	[tilespmem:s10+$0xFFFFFFF0] =	vst v1  }
0x15: {  	[tilespmem:s10+$0xFFFFFFE0] =	vst v1  }
0x16: {  	[tilespmem:s10+$0xFFFFFFD0] =	vst v1  }
0x17: {  	[tilespmem:s10+$0xFFFFFFC0] =	vst v1  }
0x18: {  	[tilespmem:s10+$0xFFFFFFB0] =	vst v1  }
0x19: {  	s11 =	simm.s32 $0x0;
	[tilespmem:s10+$0xFFFFFFA0] =	vst v1  }
.LBB2_2:
0x1a: {  	s11 =	sadd.s32 $0x10, s11;
	[tilespmem:s10+$0xFFFFFF90] =	vst v1;
	s10 =	sadd.s32 $0x100, s10  }
0x1b: {  	[tilespmem:s10+$0xFFFFFF80] =	vst v1;
	p1 =	slt.u32 s11, $0x2D0  }
0x1c: {  	[tilespmem:s10+$0x70] =	vst v1  }
0x1d: {  	[tilespmem:s10+$0x60] =	vst v1  }
0x1e: {  	[tilespmem:s10+$0x50] =	vst v1  }
0x1f: {  	[tilespmem:s10+$0x40] =	vst v1  }
0x20: {  	[tilespmem:s10+$0x30] =	vst v1  }
0x21: {  	[tilespmem:s10+$0x20] =	vst v1  }
0x22: {  	[tilespmem:s10+$0x10] =	vst v1  }
0x23: {  	[tilespmem:s10+$0x0] =	vst v1  }
0x24: {  	[tilespmem:s10+$0xFFFFFFF0] =	vst v1  }
.Ltmp0:
0x25: {  	[tilespmem:s10+$0xFFFFFFE0] =	vst v1;
	(pc) =	sbr.rel @p1 .LBB2_2-.Ltmp0, $4  }
0x26: {  	[tilespmem:s10+$0xFFFFFFD0] =	vst v1  }
0x27: {  	[tilespmem:s10+$0xFFFFFFC0] =	vst v1  }
0x28: {  	[tilespmem:s10+$0xFFFFFFB0] =	vst v1  }
0x29: {  	[tilespmem:s10+$0xFFFFFFA0] =	vst v1  }
0x2a: {  	[tilespmem:s10+$0xFFFFFF90] =	vst v1;
	v4 =	vimm.s32 $0x0  }
0x2b: {  	[tilespmem:$0x3E00] =	vst v4  }
0x2c: {  	[tilespmem:$0x3E10] =	vst v4  }
0x2d: {  	[tilespmem:$0x3E20] =	vst v4  }
0x2e: {  	[tilespmem:$0x3E30] =	vst v4  }
0x2f: {  	[tilespmem:$0x3E40] =	vst v4  }
0x30: {  	[tilespmem:$0x3E50] =	vst v4  }
0x31: {  	[tilespmem:$0x3E60] =	vst v4  }
0x32: {  	[tilespmem:$0x3E70] =	vst v4  }
0x33: {  	[tilespmem:$0x3E80] =	vst v4  }
0x34: {  	[tilespmem:$0x3E90] =	vst v4  }
0x35: {  	[tilespmem:$0x3EA0] =	vst v4  }
0x36: {  	[tilespmem:$0x3EB0] =	vst v4  }
0x37: {  	[tilespmem:$0x3EC0] =	vst v4  }
0x38: {  	[tilespmem:$0x3ED0] =	vst v4  }
0x39: {  	_ =	swait.ge [sflag:s7], $0x1000  }
0x3a: {  	s10 =	simm.s32 $0xFFFFFFF8;
	s11 =	simm.s32 $0x0;
	[sflag:s7] =	ssyncset.done $0x0  }
0x3b: {  	s12 =	simm.s32 $0x40;
	s13 =	simm.s32 $0x0;
	[sflag:s7] =	ssyncadd.s32 $0xFFFFF000  }
.LBB2_4:
0x3c: {  	v5 =	vld [tilespmem:s12+$0xFFFFFFC0];
	_ =	sdelay $0x4  }
0x3d: {  	(xrf0) =	vadd.scan.msk.s32 $0xffff, v5;
	_ =	sdelay $0x5  }
0x3e: {  	v5, _, _ =	vpop (xrf0)  }
0x3f: {  	v6 =	vadd.s32 s13, v5  }
0x40: {  	v7 =	vsub.s32 v6, v0  }
0x41: {  	v8 =	vmov s11;
	v9 =	vadd.s32 $0xFFFFFFFF, v7  }
0x42: {  	vm0 =	vlt.u32 v8, v2;
	vm2 =	vgt.s32 v7, $0x0;
	vm1 =	vlt.u32 v9, $0x2EDF  }
0x43: {  	v7 =	vnsel vm2, $0x0, v7;
	vm1 =	vmand vm0, vm1  }
0x44: {  	v7 =	vmin.u32 v7, $0x2EDF  }
0x45: {  	(v2sf) =	vpush v5, $0xF;
	_ =	sdelay $0x3  }
0x46: {  	[tilespmem:v7+s8+$0x0] =	vst.idx.msk vm1, v3  }
0x47: {  	v5 =	vld [tilespmem:s12+$0xFFFFFFD0];
	_ =	sdelay $0x4  }
0x48: {  	(xrf0) =	vadd.scan.msk.s32 $0xffff, v5;
	_ =	sdelay $0x4  }
0x49: {  	s14 =	spop (v2sf)  }
0x4a: {  	s16 =	sadd.s32 s13, s14;
	v5, _, _ =	vpop (xrf0)  }
0x4b: {  	v7 =	vadd.s32 s16, v5  }
0x4c: {  	s17 =	sadd.s32 $0x10, s11;
	v45 =	vsub.s32 v7, v0  }
0x4d: {  	v46 =	vmov s17;
	v10 =	vadd.s32 $0xFFFFFFFF, v45  }
0x4e: {  	vm1 =	vlt.u32 v46, v2;
	vm3 =	vgt.s32 v45, $0x0;
	vm8 =	vlt.u32 v10, $0x2EDF  }
0x4f: {  	v8 =	vnsel vm3, $0x0, v45;
	vm2 =	vmand vm1, vm8  }
0x50: {  	v8 =	vmin.u32 v8, $0x2EDF  }
0x51: {  	(v2sf) =	vpush v5, $0xF;
	_ =	sdelay $0x3  }
0x52: {  	[tilespmem:v8+s8+$0x0] =	vst.idx.msk vm2, v3  }
0x53: {  	v5 =	vld [tilespmem:s12+$0xFFFFFFE0];
	_ =	sdelay $0x4  }
0x54: {  	(xrf0) =	vadd.scan.msk.s32 $0xffff, v5;
	_ =	sdelay $0x4  }
0x55: {  	s18 =	spop (v2sf)  }
0x56: {  	s13 =	sadd.s32 s16, s18;
	v5, _, _ =	vpop (xrf0)  }
0x57: {  	v47 =	vadd.s32 s13, v5  }
0x58: {  	s19 =	sadd.s32 $0x20, s11;
	v48 =	vsub.s32 v47, v0  }
0x59: {  	v49 =	vmov s19;
	v11 =	vadd.s32 $0xFFFFFFFF, v48  }
0x5a: {  	vm2 =	vlt.u32 v49, v2;
	vm4 =	vgt.s32 v48, $0x0;
	vm9 =	vlt.u32 v11, $0x2EDF  }
0x5b: {  	v9 =	vnsel vm4, $0x0, v48;
	vm3 =	vmand vm2, vm9  }
0x5c: {  	v9 =	vmin.u32 v9, $0x2EDF  }
0x5d: {  	(v2sf) =	vpush v5, $0xF;
	_ =	sdelay $0x3  }
0x5e: {  	[tilespmem:v9+s8+$0x0] =	vst.idx.msk vm3, v3  }
0x5f: {  	v5 =	vld [tilespmem:s12+$0xFFFFFFF0];
	_ =	sdelay $0x4  }
0x60: {  	(xrf0) =	vadd.scan.msk.s32 $0xffff, v5;
	_ =	sdelay $0x4  }
0x61: {  	s20 =	spop (v2sf)  }
0x62: {  	s13 =	sadd.s32 s13, s20;
	v5, _, _ =	vpop (xrf0)  }
0x63: {  	v50 =	vadd.s32 s13, v5  }
0x64: {  	s21 =	sadd.s32 $0x30, s11;
	v51 =	vsub.s32 v50, v0  }
0x65: {  	v52 =	vmov s21;
	v12 =	vadd.s32 $0xFFFFFFFF, v51  }
0x66: {  	vm3 =	vlt.u32 v52, v2;
	vm5 =	vgt.s32 v51, $0x0;
	vm10 =	vlt.u32 v12, $0x2EDF  }
0x67: {  	v10 =	vnsel vm5, $0x0, v51;
	vm4 =	vmand vm3, vm10  }
0x68: {  	v10 =	vmin.u32 v10, $0x2EDF  }
0x69: {  	(v2sf) =	vpush v5, $0xF;
	_ =	sdelay $0x3  }
0x6a: {  	[tilespmem:v10+s8+$0x0] =	vst.idx.msk vm4, v3  }
0x6b: {  	v5 =	vld [tilespmem:s12+$0x0];
	_ =	sdelay $0x4  }
0x6c: {  	(xrf0) =	vadd.scan.msk.s32 $0xffff, v5;
	_ =	sdelay $0x4  }
0x6d: {  	s22 =	spop (v2sf)  }
0x6e: {  	s13 =	sadd.s32 s13, s22;
	v5, _, _ =	vpop (xrf0)  }
0x6f: {  	v53 =	vadd.s32 s13, v5  }
0x70: {  	s23 =	sadd.s32 $0x40, s11;
	v54 =	vsub.s32 v53, v0  }
0x71: {  	v55 =	vmov s23;
	v13 =	vadd.s32 $0xFFFFFFFF, v54  }
0x72: {  	vm4 =	vlt.u32 v55, v2;
	vm6 =	vgt.s32 v54, $0x0;
	vm11 =	vlt.u32 v13, $0x2EDF  }
0x73: {  	v11 =	vnsel vm6, $0x0, v54;
	vm5 =	vmand vm4, vm11  }
0x74: {  	v11 =	vmin.u32 v11, $0x2EDF  }
0x75: {  	(v2sf) =	vpush v5, $0xF;
	_ =	sdelay $0x3  }
0x76: {  	[tilespmem:v11+s8+$0x0] =	vst.idx.msk vm5, v3  }
0x77: {  	v5 =	vld [tilespmem:s12+$0x10];
	_ =	sdelay $0x4  }
0x78: {  	(xrf0) =	vadd.scan.msk.s32 $0xffff, v5;
	_ =	sdelay $0x4  }
0x79: {  	s24 =	spop (v2sf)  }
0x7a: {  	s13 =	sadd.s32 s13, s24;
	v5, _, _ =	vpop (xrf0)  }
0x7b: {  	v56 =	vadd.s32 s13, v5  }
0x7c: {  	s25 =	sadd.s32 $0x50, s11;
	v57 =	vsub.s32 v56, v0  }
0x7d: {  	v58 =	vmov s25;
	v14 =	vadd.s32 $0xFFFFFFFF, v57  }
0x7e: {  	vm5 =	vlt.u32 v58, v2;
	vm7 =	vgt.s32 v57, $0x0;
	vm12 =	vlt.u32 v14, $0x2EDF  }
0x7f: {  	v12 =	vnsel vm7, $0x0, v57;
	vm6 =	vmand vm5, vm12  }
0x80: {  	v12 =	vmin.u32 v12, $0x2EDF  }
0x81: {  	(v2sf) =	vpush v5, $0xF;
	_ =	sdelay $0x3  }
0x82: {  	[tilespmem:v12+s8+$0x0] =	vst.idx.msk vm6, v3  }
0x83: {  	v5 =	vld [tilespmem:s12+$0x20];
	_ =	sdelay $0x4  }
0x84: {  	(xrf0) =	vadd.scan.msk.s32 $0xffff, v5;
	_ =	sdelay $0x4  }
0x85: {  	s26 =	spop (v2sf)  }
0x86: {  	s13 =	sadd.s32 s13, s26;
	v5, _, _ =	vpop (xrf0)  }
0x87: {  	v59 =	vadd.s32 s13, v5  }
0x88: {  	s28 =	sadd.s32 $0x60, s11;
	v60 =	vsub.s32 v59, v0  }
0x89: {  	v61 =	vmov s28;
	v15 =	vadd.s32 $0xFFFFFFFF, v60  }
0x8a: {  	vm6 =	vlt.u32 v61, v2;
	vm8 =	vgt.s32 v60, $0x0;
	vm13 =	vlt.u32 v15, $0x2EDF  }
0x8b: {  	v13 =	vnsel vm8, $0x0, v60;
	vm7 =	vmand vm6, vm13  }
0x8c: {  	v13 =	vmin.u32 v13, $0x2EDF;
	_ =	sdelay $0x4  }
0x8d: {  	[tilespmem:v13+s8+$0x0] =	vst.idx.msk vm7, v3  }
0x8e: {  	v13 =	vld [tilespmem:s12+$0x30]  }
0x8f: {  	(v2sf) =	vpush v5, $0xF;
	_ =	sdelay $0x3  }
0x90: {  	(xrf0) =	vadd.scan.msk.s32 $0xffff, v13;
	_ =	sdelay $0x5  }
0x91: {  	v5, _, _ =	vpop (xrf0)  }
0x92: {  	vm14 =	vle.s32 v6, v0;
	(v2sf) =	vpush v5, $0xF  }
0x93: {  	vm0 =	vmand vm0, vm14  }
0x94: {  	v6 =	vsel vm0, $0x1, v1;
	vm15 =	vle.s32 v7, v0  }
0x95: {  	s30 =	sadd.s32 $0x70, s11;
	v4 =	vadd.s32 v6, v4;
	vm1 =	vmand vm1, vm15  }
0x96: {  	v7 =	vmov s30;
	v6 =	vsel vm1, $0x1, v1;
	vm7 =	vle.s32 v47, v0;
	s29 =	spop (v2sf)  }
0x97: {  	v4 =	vadd.s32 v6, v4;
	vm9 =	vle.s32 v53, v0;
	vm0 =	vmand vm2, vm7;
	s13 =	sadd.s32 s13, s29  }
0x98: {  	vm1 =	vmand vm4, vm9;
	v6 =	vsel vm0, $0x1, v1;
	v5 =	vadd.s32 s13, v5  }
0x99: {  	v63 =	vsel vm1, $0x1, v1;
	v4 =	vadd.s32 v6, v4;
	v6 =	vsub.s32 v5, v0  }
0x9a: {  	vm11 =	vlt.u32 v7, v2;
	vm14 =	vle.s32 v59, v0;
	v62 =	vadd.s32 $0xFFFFFFFF, v6  }
0x9b: {  	vm8 =	vle.s32 v50, v0;
	vm10 =	vgt.s32 v6, $0x0;
	vm12 =	vlt.u32 v62, $0x2EDF  }
0x9c: {  	s10 =	sadd.s32 $0x8, s10;
	vm0 =	vmand vm3, vm8;
	v6 =	vnsel vm10, $0x0, v6;
	vm2 =	vmand vm11, vm12  }
0x9d: {  	p1 =	slt.u32 s10, $0xF8;
	vm13 =	vle.s32 v56, v0;
	v7 =	vsel vm0, $0x1, v1;
	v6 =	vmin.u32 v6, $0x2EDF  }
.Ltmp1:
0x9e: {  	vm1 =	vmand vm6, vm14;
	vm0 =	vmand vm5, vm13;
	v4 =	vadd.s32 v7, v4;
	(pc) =	sbr.rel @p1 .LBB2_4-.Ltmp1, $4  }
0x9f: {  	v7 =	vsel vm0, $0x1, v1;
	v4 =	vadd.s32 v63, v4;
	vm15 =	vle.s32 v5, v0  }
0xa0: {  	v4 =	vadd.s32 v7, v4;
	v5 =	vsel vm1, $0x1, v1;
	vm0 =	vmand vm11, vm15  }
0xa1: {  	v4 =	vadd.s32 v5, v4;
	v5 =	vsel vm0, $0x1, v1;
	s31 =	spop (v2sf)  }
0xa2: {  	s11 =	sadd.s32 $0x80, s11;
	s12 =	sadd.s32 $0x80, s12;
	v4 =	vadd.s32 v5, v4;
	[tilespmem:v6+s8+$0x0] =	vst.idx.msk vm2, v3;
	s13 =	sadd.s32 s13, s31  }
0xa3: {  	s11 =	simm.s32 $0x1060  }
0xa4: {  	v5 =	vld [tilespmem:s11+$0xFFFFFFA0];
	_ =	sdelay $0x1  }
0xa5: {  	v6 =	vld [tilespmem:s11+$0xFFFFFFB0];
	_ =	sdelay $0x1  }
0xa6: {  	(xrf0) =	vadd.scan.msk.s32 $0xffff, v4  }
0xa7: {  	v4 =	vld [tilespmem:s11+$0xFFFFFFC0];
	(xrf0) =	vadd.scan.msk.s32 $0xffff, v5;
	_ =	sdelay $0x1  }
0xa8: {  	v5 =	vld [tilespmem:s11+$0xFFFFFFD0];
	(xrf0) =	vadd.scan.msk.s32 $0xffff, v6  }
0xa9: {  	v6 =	vld [tilespmem:s11+$0xFFFFFFE0]  }
0xaa: {  	v7 =	vld [tilespmem:s11+$0xFFFFFFF0]  }
0xab: {  	(xrf0) =	vadd.scan.msk.s32 $0xffff, v4;
	v4, _, _ =	vpop (xrf0)  }
0xac: {  	(v2sf) =	vpush v4, $0xF;
	v4, _, _ =	vpop (xrf0)  }
0xad: {  	(xrf0) =	vadd.scan.msk.s32 $0xffff, v5;
	(v2sf) =	vpush v4, $0xF  }
0xae: {  	v5 =	vld [tilespmem:s11+$0x0];
	v8, _, _ =	vpop (xrf0);
	(xrf0) =	vadd.scan.msk.s32 $0xffff, v6  }
0xaf: {  	v9 =	vld [tilespmem:s11+$0x10];
	(xrf0) =	vadd.scan.msk.s32 $0xffff, v7  }
0xb0: {  	v7 =	vld [tilespmem:s11+$0x20];
	_ =	sdelay $0x1  }
0xb1: {  	(v2sf) =	vpush v8, $0xF;
	v6, _, _ =	vpop (xrf0)  }
0xb2: {  	(xrf0) =	vadd.scan.msk.s32 $0xffff, v5;
	v5, _, _ =	vpop (xrf0)  }
0xb3: {  	(v2sf) =	vpush v6, $0xF;
	(xrf0) =	vadd.scan.msk.s32 $0xffff, v9;
	v11, _, _ =	vpop (xrf0)  }
0xb4: {  	v10 =	vld [tilespmem:s11+$0x30];
	v12, _, _ =	vpop (xrf0);
	(xrf0) =	vadd.scan.msk.s32 $0xffff, v7  }
0xb5: {  	v9 =	vld [tilespmem:s11+$0x40];
	(v2sf) =	vpush v5, $0xF;
	_ =	sdelay $0x1  }
0xb6: {  	(v2sf) =	vpush v11, $0xF  }
0xb7: {  	v7 =	vld [tilespmem:s11+$0x50];
	(v2sf) =	vpush v12, $0xF;
	v13, _, _ =	vpop (xrf0)  }
0xb8: {  	(xrf0) =	vadd.scan.msk.s32 $0xffff, v10;
	(v2sf) =	vpush v13, $0xF;
	v10, _, _ =	vpop (xrf0)  }
0xb9: {  	(xrf0) =	vadd.scan.msk.s32 $0xffff, v9;
	s10 =	spop (v2sf);
	(v2sf) =	vpush v10, $0xF;
	v9, _, _ =	vpop (xrf0)  }
0xba: {  	s12 =	spop (v2sf);
	(v2sf) =	vpush v9, $0xF  }
0xbb: {  	v4 =	vadd.s32 s10, v4  }
0xbc: {  	(xrf0) =	vadd.scan.msk.s32 $0xffff, v7;
	_ =	sdelay $0x1  }
0xbd: {  	[tilespmem:s11+$0xFFFFFFA0] =	vst v4;
	v4, _, _ =	vpop (xrf0);
	s12 =	sadd.s32 s10, s12;
	s10 =	simm.s32 $0x1120  }
0xbe: {  	s13 =	spop (v2sf);
	(v2sf) =	vpush v4, $0xF;
	v7 =	vld [tilespmem:s10+$0xFFFFFFA0];
	v8 =	vadd.s32 s12, v8  }
0xbf: {  	v14, _, _ =	vpop (xrf0);
	s12 =	sadd.s32 s12, s13;
	[tilespmem:s11+$0xFFFFFFB0] =	vst v8  }
0xc0: {  	s22 =	spop (v2sf);
	(v2sf) =	vpush v14, $0xF;
	v6 =	vadd.s32 s12, v6;
	v8 =	vld [tilespmem:s10+$0xFFFFFFB0]  }
0xc1: {  	s12 =	sadd.s32 s12, s22;
	[tilespmem:s11+$0xFFFFFFC0] =	vst v6;
	v15, _, _ =	vpop (xrf0)  }
0xc2: {  	v5 =	vadd.s32 s12, v5;
	v6 =	vld [tilespmem:s10+$0xFFFFFFC0];
	s23 =	spop (v2sf);
	(v2sf) =	vpush v15, $0xF  }
0xc3: {  	[tilespmem:s11+$0xFFFFFFD0] =	vst v5;
	s12 =	sadd.s32 s12, s23;
	(xrf0) =	vadd.scan.msk.s32 $0xffff, v7  }
0xc4: {  	v5 =	vld [tilespmem:s10+$0xFFFFFFD0];
	s24 =	spop (v2sf);
	v11 =	vadd.s32 s12, v11  }
0xc5: {  	s12 =	sadd.s32 s12, s24;
	s25 =	spop (v2sf);
	[tilespmem:s11+$0xFFFFFFE0] =	vst v11;
	(xrf0) =	vadd.scan.msk.s32 $0xffff, v8  }
0xc6: {  	v12 =	vadd.s32 s12, v12;
	s12 =	sadd.s32 s12, s25;
	v11 =	vld [tilespmem:s10+$0xFFFFFFE0];
	s26 =	spop (v2sf)  }
0xc7: {  	v16 =	vld [tilespmem:s10+$0xFFFFFFF0];
	[tilespmem:s11+$0xFFFFFFF0] =	vst v12;
	v7 =	vadd.s32 s12, v13;
	(xrf0) =	vadd.scan.msk.s32 $0xffff, v6;
	s12 =	sadd.s32 s12, s26;
	s28 =	spop (v2sf)  }
0xc8: {  	[tilespmem:s11+$0x0] =	vst v7;
	v7 =	vadd.s32 s12, v10;
	s12 =	sadd.s32 s12, s28;
	s29 =	spop (v2sf)  }
0xc9: {  	(xrf0) =	vadd.scan.msk.s32 $0xffff, v5;
	v6 =	vld [tilespmem:s10+$0x0];
	v8, _, _ =	vpop (xrf0);
	[tilespmem:s11+$0x10] =	vst v7;
	v5 =	vadd.s32 s12, v9;
	s12 =	sadd.s32 s12, s29  }
0xca: {  	(v2sf) =	vpush v8, $0xF;
	v7 =	vld [tilespmem:s10+$0x10];
	[tilespmem:s11+$0x20] =	vst v5;
	v5 =	vadd.s32 s12, v4  }
0xcb: {  	(xrf0) =	vadd.scan.msk.s32 $0xffff, v11;
	v4, _, _ =	vpop (xrf0)  }
0xcc: {  	(xrf0) =	vadd.scan.msk.s32 $0xffff, v16;
	(v2sf) =	vpush v4, $0xF  }
0xcd: {  	v9 =	vld [tilespmem:s10+$0x20];
	s30 =	spop (v2sf);
	[tilespmem:s11+$0x30] =	vst v5;
	v5, _, _ =	vpop (xrf0)  }
0xce: {  	s12 =	sadd.s32 s12, s30;
	(xrf0) =	vadd.scan.msk.s32 $0xffff, v6;
	(v2sf) =	vpush v5, $0xF  }
0xcf: {  	s31 =	spop (v2sf);
	v11 =	vadd.s32 s12, v14;
	v10 =	vld [tilespmem:s10+$0x30];
	v6, _, _ =	vpop (xrf0)  }
0xd0: {  	s13 =	sadd.s32 s12, s31;
	[tilespmem:s11+$0x40] =	vst v11;
	(xrf0) =	vadd.scan.msk.s32 $0xffff, v7;
	(v2sf) =	vpush v6, $0xF  }
0xd1: {  	s12 =	simm.s32 $0xC;
	v12 =	vadd.s32 s13, v15;
	v11 =	vld [tilespmem:s10+$0x40];
	s14 =	spop (v2sf);
	v7, _, _ =	vpop (xrf0)  }
.LBB2_6:
0xd2: {  	s12 =	sadd.s32 $0xC, s12;
	(v2sf) =	vpush v7, $0xF;
	v13, _, _ =	vpop (xrf0);
	(xrf0) =	vadd.scan.msk.s32 $0xffff, v9;
	[tilespmem:s11+$0x50] =	vst v12;
	s13 =	sadd.s32 s13, s14;
	s11 =	smov.u32 s10  }
0xd3: {  	p1 =	slt.u32 s12, $0x2DC;
	v12 =	vadd.s32 s13, v8;
	v9 =	vld [tilespmem:s10+$0x50];
	(v2sf) =	vpush v13, $0xF  }
0xd4: {  	[tilespmem:s10+$0xFFFFFFA0] =	vst v12;
	v8, _, _ =	vpop (xrf0);
	(xrf0) =	vadd.scan.msk.s32 $0xffff, v10  }
0xd5: {  	(v2sf) =	vpush v8, $0xF  }
0xd6: {  	v10, _, _ =	vpop (xrf0);
	(xrf0) =	vadd.scan.msk.s32 $0xffff, v11  }
0xd7: {  	(v2sf) =	vpush v10, $0xF  }
0xd8: {  	v11, _, _ =	vpop (xrf0);
	(xrf0) =	vadd.scan.msk.s32 $0xffff, v9  }
0xd9: {  	s14 =	spop (v2sf);
	(v2sf) =	vpush v11, $0xF  }
0xda: {  	s10 =	sadd.s32 $0xC0, s10;
	s13 =	sadd.s32 s13, s14;
	v12, _, _ =	vpop (xrf0)  }
0xdb: {  	v9 =	vld [tilespmem:s10+$0xFFFFFFA0];
	v4 =	vadd.s32 s13, v4;
	s14 =	spop (v2sf);
	(v2sf) =	vpush v12, $0xF  }
0xdc: {  	[tilespmem:s11+$0xFFFFFFB0] =	vst v4;
	s13 =	sadd.s32 s13, s14;
	v14, _, _ =	vpop (xrf0)  }
0xdd: {  	v4 =	vld [tilespmem:s10+$0xFFFFFFB0];
	v5 =	vadd.s32 s13, v5;
	s14 =	spop (v2sf);
	(v2sf) =	vpush v14, $0xF  }
0xde: {  	[tilespmem:s11+$0xFFFFFFC0] =	vst v5;
	s13 =	sadd.s32 s13, s14;
	v15, _, _ =	vpop (xrf0)  }
0xdf: {  	v5 =	vld [tilespmem:s10+$0xFFFFFFC0];
	v6 =	vadd.s32 s13, v6;
	s14 =	spop (v2sf);
	(v2sf) =	vpush v15, $0xF  }
0xe0: {  	(xrf0) =	vadd.scan.msk.s32 $0xffff, v9;
	[tilespmem:s11+$0xFFFFFFD0] =	vst v6;
	s13 =	sadd.s32 s13, s14  }
0xe1: {  	v6 =	vld [tilespmem:s10+$0xFFFFFFD0];
	v7 =	vadd.s32 s13, v7;
	s14 =	spop (v2sf)  }
0xe2: {  	(xrf0) =	vadd.scan.msk.s32 $0xffff, v4;
	[tilespmem:s11+$0xFFFFFFE0] =	vst v7;
	s13 =	sadd.s32 s13, s14;
	s14 =	spop (v2sf)  }
0xe3: {  	v7 =	vld [tilespmem:s10+$0xFFFFFFE0];
	v4 =	vadd.s32 s13, v13;
	s13 =	sadd.s32 s13, s14  }
0xe4: {  	v9 =	vld [tilespmem:s10+$0xFFFFFFF0];
	(xrf0) =	vadd.scan.msk.s32 $0xffff, v5;
	[tilespmem:s11+$0xFFFFFFF0] =	vst v4;
	v4 =	vadd.s32 s13, v8;
	s14 =	spop (v2sf)  }
0xe5: {  	[tilespmem:s11+$0x0] =	vst v4;
	s13 =	sadd.s32 s13, s14  }
0xe6: {  	v13 =	vld [tilespmem:s10+$0x0];
	v8, _, _ =	vpop (xrf0);
	(xrf0) =	vadd.scan.msk.s32 $0xffff, v6;
	v5 =	vadd.s32 s13, v10;
	s14 =	spop (v2sf)  }
0xe7: {  	(v2sf) =	vpush v8, $0xF;
	[tilespmem:s11+$0x10] =	vst v5;
	s13 =	sadd.s32 s13, s14  }
0xe8: {  	v16 =	vld [tilespmem:s10+$0x10];
	v4, _, _ =	vpop (xrf0);
	(xrf0) =	vadd.scan.msk.s32 $0xffff, v7;
	v6 =	vadd.s32 s13, v11;
	s14 =	spop (v2sf)  }
0xe9: {  	(v2sf) =	vpush v4, $0xF;
	(xrf0) =	vadd.scan.msk.s32 $0xffff, v9;
	[tilespmem:s11+$0x20] =	vst v6;
	s13 =	sadd.s32 s13, s14  }
.Ltmp2:
0xea: {  	v9 =	vld [tilespmem:s10+$0x20];
	v5, _, _ =	vpop (xrf0);
	v7 =	vadd.s32 s13, v12;
	s14 =	spop (v2sf);
	(pc) =	sbr.rel @p1 .LBB2_6-.Ltmp2, $4  }
0xeb: {  	(v2sf) =	vpush v5, $0xF;
	(xrf0) =	vadd.scan.msk.s32 $0xffff, v13;
	[tilespmem:s11+$0x30] =	vst v7;
	s13 =	sadd.s32 s13, s14  }
0xec: {  	v10 =	vld [tilespmem:s10+$0x30];
	v6, _, _ =	vpop (xrf0);
	v12 =	vadd.s32 s13, v14;
	s14 =	spop (v2sf)  }
0xed: {  	(v2sf) =	vpush v6, $0xF;
	(xrf0) =	vadd.scan.msk.s32 $0xffff, v16;
	[tilespmem:s11+$0x40] =	vst v12;
	s13 =	sadd.s32 s13, s14  }
0xee: {  	v11 =	vld [tilespmem:s10+$0x40];
	v7, _, _ =	vpop (xrf0);
	v12 =	vadd.s32 s13, v15;
	s14 =	spop (v2sf)  }
0xef: {  	_ =	sdelay $0x1  }
0xf0: {  	(xrf0) =	vadd.scan.msk.s32 $0xffff, v9  }
0xf1: {  	(xrf0) =	vadd.scan.msk.s32 $0xffff, v10  }
0xf2: {  	(xrf0) =	vadd.scan.msk.s32 $0xffff, v11  }
0xf3: {  	v54, _, _ =	vpop (xrf0);
	(v2sf) =	vpush v7, $0xF  }
0xf4: {  	(v2sf) =	vpush v54, $0xF;
	v55, _, _ =	vpop (xrf0)  }
0xf5: {  	(v2sf) =	vpush v55, $0xF;
	v56, _, _ =	vpop (xrf0)  }
0xf6: {  	(v2sf) =	vpush v56, $0xF;
	v13, _, _ =	vpop (xrf0)  }
0xf7: {  	(v2sf) =	vpush v13, $0xF;
	v14, _, _ =	vpop (xrf0)  }
0xf8: {  	(v2sf) =	vpush v14, $0xF;
	v15, _, _ =	vpop (xrf0)  }
0xf9: {  	(v2sf) =	vpush v15, $0xF;
	_ =	sdelay $0x3  }
0xfa: {  	[tilespmem:s11+$0x50] =	vst v12  }
0xfb: {  	s12 =	sadd.s32 s13, s14;
	v12 =	vld [tilespmem:s10+$0x50];
	s31 =	spop (v2sf)  }
0xfc: {  	v8 =	vadd.s32 s12, v8;
	s11 =	sadd.s32 s12, s31;
	s15 =	spop (v2sf)  }
0xfd: {  	[tilespmem:s10+$0xFFFFFFA0] =	vst v8;
	v4 =	vadd.s32 s11, v4;
	s11 =	sadd.s32 s11, s15;
	s16 =	spop (v2sf)  }
0xfe: {  	[tilespmem:s10+$0xFFFFFFB0] =	vst v4;
	v4 =	vadd.s32 s11, v5;
	s11 =	sadd.s32 s11, s16;
	s17 =	spop (v2sf)  }
0xff: {  	[tilespmem:s10+$0xFFFFFFC0] =	vst v4;
	v4 =	vadd.s32 s11, v6;
	s11 =	sadd.s32 s11, s17;
	s18 =	spop (v2sf)  }
0x100: {  	(xrf0) =	vadd.scan.msk.s32 $0xffff, v12;
	[tilespmem:s10+$0xFFFFFFD0] =	vst v4;
	v4 =	vadd.s32 s11, v7;
	s11 =	sadd.s32 s11, s18;
	s19 =	spop (v2sf)  }
0x101: {  	[tilespmem:s10+$0xFFFFFFE0] =	vst v4;
	v4 =	vadd.s32 s11, v54;
	s11 =	sadd.s32 s11, s19;
	s20 =	spop (v2sf)  }
0x102: {  	[tilespmem:s10+$0xFFFFFFF0] =	vst v4;
	v4 =	vadd.s32 s11, v55;
	s11 =	sadd.s32 s11, s20;
	s21 =	spop (v2sf)  }
0x103: {  	[tilespmem:s10+$0x0] =	vst v4;
	v4 =	vadd.s32 s11, v56;
	s11 =	sadd.s32 s11, s21;
	s22 =	spop (v2sf)  }
0x104: {  	[tilespmem:s10+$0x10] =	vst v4;
	v4 =	vadd.s32 s11, v13;
	s11 =	sadd.s32 s11, s22;
	s23 =	spop (v2sf)  }
0x105: {  	[tilespmem:s10+$0x20] =	vst v4;
	v4 =	vadd.s32 s11, v14;
	s11 =	sadd.s32 s11, s23;
	s24 =	spop (v2sf)  }
0x106: {  	v5, _, _ =	vpop (xrf0);
	[tilespmem:s10+$0x30] =	vst v4;
	v4 =	vadd.s32 s11, v15;
	s11 =	sadd.s32 s11, s24  }
0x107: {  	[tilespmem:s10+$0x40] =	vst v4;
	v4 =	vadd.s32 s11, v5  }
0x108: {  	[tilespmem:s10+$0x50] =	vst v4  }
0x109: {  	v4 =	vld [tilespmem:$0x3E80]  }
0x10a: {  	v57 =	vld [tilespmem:$0x3E90]  }
0x10b: {  	v58 =	vld [tilespmem:$0x3EA0]  }
0x10c: {  	v8 =	vld [tilespmem:$0x3EB0]  }
0x10d: {  	v59 =	vld [tilespmem:$0x3EC0]  }
0x10e: {  	(xrf0) =	vadd.scan.msk.s32 $0xffff, v4  }
0x10f: {  	(xrf0) =	vadd.scan.msk.s32 $0xffff, v57  }
0x110: {  	(xrf0) =	vadd.scan.msk.s32 $0xffff, v58  }
0x111: {  	(xrf0) =	vadd.scan.msk.s32 $0xffff, v8  }
0x112: {  	(xrf0) =	vadd.scan.msk.s32 $0xffff, v59;
	_ =	sdelay $0x1  }
0x113: {  	(v2sf) =	vpush v5, $0xF;
	v4, _, _ =	vpop (xrf0)  }
0x114: {  	v5, _, _ =	vpop (xrf0);
	(v2sf) =	vpush v4, $0xF  }
0x115: {  	(v2sf) =	vpush v5, $0xF;
	v60, _, _ =	vpop (xrf0)  }
0x116: {  	(v2sf) =	vpush v60, $0xF;
	v61, _, _ =	vpop (xrf0)  }
0x117: {  	(v2sf) =	vpush v61, $0xF;
	v62, _, _ =	vpop (xrf0)  }
0x118: {  	(v2sf) =	vpush v62, $0xF;
	_ =	sdelay $0x4  }
0x119: {  	v63 =	vld [tilespmem:$0x3ED0];
	_ =	sdelay $0x4  }
0x11a: {  	s25 =	spop (v2sf);
	(xrf0) =	vadd.scan.msk.s32 $0xffff, v63  }
0x11b: {  	s10 =	sadd.s32 s11, s25;
	s26 =	spop (v2sf)  }
0x11c: {  	v4 =	vadd.s32 s10, v4;
	s10 =	sadd.s32 s10, s26;
	s28 =	spop (v2sf)  }
0x11d: {  	[tilespmem:$0x3E80] =	vst v4;
	v4 =	vadd.s32 s10, v5;
	s10 =	sadd.s32 s10, s28;
	s29 =	spop (v2sf)  }
0x11e: {  	[tilespmem:$0x3E90] =	vst v4;
	v4 =	vadd.s32 s10, v60;
	s10 =	sadd.s32 s10, s29;
	s30 =	spop (v2sf)  }
0x11f: {  	[tilespmem:$0x3EA0] =	vst v4;
	v4 =	vadd.s32 s10, v61;
	s10 =	sadd.s32 s10, s30;
	s31 =	spop (v2sf)  }
0x120: {  	v5, _, _ =	vpop (xrf0);
	[tilespmem:$0x3EB0] =	vst v4;
	v4 =	vadd.s32 s10, v62;
	s10 =	sadd.s32 s10, s31  }
0x121: {  	[tilespmem:$0x3EC0] =	vst v4;
	v4 =	vadd.s32 s10, v5  }
0x122: {  	s11 =	simm.s32 @p0 $0x1000;
	s10 =	simm.s32 @p0 $0x0;
	[tilespmem:$0x3ED0] =	vst v4  }
0x123: {  	[hbm4b:s5+s10] =	stream.linear.scatter @p0 [tilespmem:s11], [sflag:$0x2], $0x2DF7, $0x38;
	[tilespmem:$0x3EE0] =	vst v63  }
0x124: {  	s10 =	simm.s32 @p0 $0x2  }
0x125: {  	s9 =	sadd.s32 $0x1, s9;
	_ =	swait.ge @p0 [sflag:s10], $0x2DF7  }
0x126: {  	p1 =	sne.s32 s9, s6;
	[sflag:s10] =	ssyncset.done @p0 $0x0  }
0x127: {  	s11 =	simm.s32 @!p0 $0x1000;
	[sflag:s10] =	ssyncadd.s32 @p0 $0xFFFFD209;
	s10 =	simm.s32 @!p0 $0x0  }
0x128: {  	[hbm4b:s4+s10] =	stream.linear.scatter @!p0 [tilespmem:s11], [sflag:$0x2], $0x2EE0, $0x38;
	[tilespmem:$0x3EE0] =	vst v63  }
.Ltmp3:
0x129: {  	_ = 	snop;
	(pc) =	sbr.rel @p1 .LBB2_1-.Ltmp3, $4  }
0x12a: {  	s10 =	simm.s32 @!p0 $0x2  }
0x12b: {  	_ =	swait.ge @!p0 [sflag:s10], $0x2EE0  }
0x12c: {  	[sflag:s10] =	ssyncset.done @!p0 $0x0  }
0x12d: {  	[sflag:s10] =	ssyncadd.s32 @!p0 $0xFFFFD120  }
0x12e: {  	_ =	sfence.sel $0x180000  }
0x12f: {  	[bflag:$0x0] =	sbarrier.arrive $0xFFFF  }
0x130: {  	p0 =	sne.s32 s0, $0x0;
	_ =	strace $0x90000047  }
0x131: {  	s0 =	sadd.s32 @!p0 $0x100000, s1;
	[bflag:$0x2] =	sbarrier.arrive $0xFFFF  }
0x132: {  	[sflag:s0] =	ssyncadd.tile.s32 @!p0 $0x1;
	_ =	shalt  }
.Lfunc_end2:
_tile_overlayer_lowered:
.L_overlay_start_2:
0x133: {  	(tag) =	ssettag $0x2  }
0x134: {  	s0 =	rddreg [dreg:$0x0];
	s2 =	stileid.u32  }
0x135: {  	s1 =	rddreg [dreg:$0x1];
	p0 =	sne.s32 s2, $0x0  }
0x136: {  	s3 =	rddreg [dreg:$0x2];
	[bflag:$0x3] =	sbarrier.arrive $0xFFFF;
	s2 =	simm.s32 @!p0 $0x1C02  }
0x137: {  	[timem:s3], [sflag:s2] =	dma.local @!p0 [hbm:s0], s1  }
0x138: {  	s0 =	simm.s32 @!p0 $0x2  }
0x139: {  	_ =	swait.ge @!p0 [sflag:s0], s1  }
0x13a: {  	s1 =	ssub.s32 @!p0 $0x0, s1;
	[sflag:s0] =	ssyncset.done @!p0 $0x0  }
0x13b: {  	[sflag:s0] =	ssyncadd.s32 @!p0 s1  }
0x13c: {  	[bflag:$0x3] =	sbarrier.arrive $0xFFFF  }
0x13d: {  	_ =	shalt  }

</sc_bundles>
